<compile_context>
chip_gen: v7x
topology: tpu7x:2x2x1
jax: 0.10.2.dev20260603
libtpu: 0.0.44.dev20260713+nightly
codegen_flags: <defaults>
</compile_context>

<pallas_src>
import functools
import jax
import jax.numpy as jnp
from jax import lax
from jax.experimental import pallas as pl
from jax.experimental.pallas import tpu as pltpu
from jax.experimental.pallas import tpu_sc as plsc

B = 8
N = 2048

NC, NS, L = 2, 16, 16
NW = NC * NS
N_SC = 1
N_TC = B - N_SC
Q = NW // N_SC
COLS_W = N // Q
CB = 4
BLOCKS = COLS_W // (CB * L)

_mesh = plsc.VectorSubcoreMesh(core_axis_name="c", subcore_axis_name="s",
                               num_cores=NC, num_subcores=NS)


def _min_pass(src_planes, dst_planes, out_v, q):
    sx_v, sy_v, sz_v, sn_v = src_planes
    dx_v, dy_v, dz_v, dn_v = dst_planes
    for blk in range(BLOCKS):
        colbase = q * COLS_W + blk * (CB * L)
        gx = [dx_v[pl.ds(colbase + v * L, L)] * -2.0 for v in range(CB)]
        gy = [dy_v[pl.ds(colbase + v * L, L)] * -2.0 for v in range(CB)]
        gz = [dz_v[pl.ds(colbase + v * L, L)] * -2.0 for v in range(CB)]
        init = tuple(jnp.full((L,), jnp.inf, jnp.float32) for _ in range(CB))

        @plsc.parallel_loop(0, N, unroll=2, carry=init)
        def acc(i, acc):
            ridx = jnp.full((L,), i, jnp.int32)
            px = plsc.load_gather(sx_v, [ridx])
            py = plsc.load_gather(sy_v, [ridx])
            pz = plsc.load_gather(sz_v, [ridx])
            pn = plsc.load_gather(sn_v, [ridx])
            return tuple(
                jnp.minimum(acc[v],
                            px * gx[v] + py * gy[v] + pz * gz[v] + pn)
                for v in range(CB))
        for v in range(CB):
            gn = dn_v[pl.ds(colbase + v * L, L)]
            out_v[pl.ds(blk * CB * L + v * L, L)] = acc[v] + gn


@functools.partial(
    pl.kernel,
    out_type=[jax.ShapeDtypeStruct((N_SC, N), jnp.float32),
              jax.ShapeDtypeStruct((N_SC, N), jnp.float32)],
    mesh=_mesh,
    scratch_types=(
        [pltpu.VMEM((N,), jnp.float32) for _ in range(8)]
        + [pltpu.VMEM((COLS_W,), jnp.float32),
           pltpu.VMEM((COLS_W,), jnp.float32)]
    ),
    compiler_params=pltpu.CompilerParams(needs_layout_passes=False),
)
def _sc_minsq(p_hbm, g_hbm, z1_hbm, z2_hbm,
              px_v, py_v, pz_v, pn_v, gx_v, gy_v, gz_v, gn_v, o1_v, o2_v):
    wid = lax.axis_index("c") * NS + lax.axis_index("s")
    b = wid // Q
    q = wid % Q
    p_planes = (px_v, py_v, pz_v, pn_v)
    g_planes = (gx_v, gy_v, gz_v, gn_v)
    for c in range(4):
        pltpu.sync_copy(p_hbm.at[b, c], p_planes[c])
        pltpu.sync_copy(g_hbm.at[b, c], g_planes[c])
    _min_pass(p_planes, g_planes, o1_v, q)
    pltpu.sync_copy(o1_v, z1_hbm.at[b, pl.ds(q * COLS_W, COLS_W)])
    _min_pass(g_planes, p_planes, o2_v, q)
    pltpu.sync_copy(o2_v, z2_hbm.at[b, pl.ds(q * COLS_W, COLS_W)])


ROWS = 2048
T = N // ROWS


def _tc_body(pt_ref, g_ref, loss_ref, zmin_ref):
    b = pl.program_id(0)
    t = pl.program_id(1)
    p = jnp.transpose(pt_ref[0])
    g = g_ref[0]
    d = ((p[:, 0:1] - g[0:1, :]) ** 2
         + (p[:, 1:2] - g[1:2, :]) ** 2
         + (p[:, 2:3] - g[2:3, :]) ** 2)

    colmin = jnp.min(d, axis=0, keepdims=True)
    zmin_new = jnp.where(t == 0, colmin,
                         jnp.minimum(zmin_ref[...], colmin))
    zmin_ref[...] = zmin_new

    partial = jnp.sum(jnp.sqrt(jnp.min(d, axis=1)))

    last_t = t == T - 1
    inc = partial + jnp.where(last_t, jnp.sum(jnp.sqrt(zmin_new)), 0.0)
    first = jnp.logical_and(b == 0, t == 0)
    loss_ref[0, 0] = jnp.where(first, 0.0, loss_ref[0, 0]) + inc


def _tc_chamfer(predict_pc, gt_pc):
    return pl.pallas_call(
        _tc_body,
        grid=(N_TC, T),
        in_specs=[
            pl.BlockSpec((1, 3, ROWS), lambda b, t: (b + N_SC, 0, t)),
            pl.BlockSpec((1, 3, N), lambda b, t: (b + N_SC, 0, 0)),
        ],
        out_specs=pl.BlockSpec((1, 1), lambda b, t: (0, 0),
                               memory_space=pltpu.SMEM),
        out_shape=jax.ShapeDtypeStruct((1, 1), jnp.float32),
        scratch_shapes=[pltpu.VMEM((1, N), jnp.float32)],
    )(predict_pc, gt_pc)


def _finish_body(z1_ref, z2_ref, tc_ref, out_ref):
    s = (jnp.sum(jnp.sqrt(jnp.maximum(z1_ref[...], 0.0)))
         + jnp.sum(jnp.sqrt(jnp.maximum(z2_ref[...], 0.0))))
    out_ref[0, 0] = (s + tc_ref[0, 0]) * (1.0 / (B * N))


def _finish(z1, z2, tc_part):
    out = pl.pallas_call(
        _finish_body,
        in_specs=[pl.BlockSpec(memory_space=pltpu.VMEM),
                  pl.BlockSpec(memory_space=pltpu.VMEM),
                  pl.BlockSpec(memory_space=pltpu.SMEM)],
        out_specs=pl.BlockSpec(memory_space=pltpu.SMEM),
        out_shape=jax.ShapeDtypeStruct((1, 1), jnp.float32),
    )(z1, z2, tc_part)
    return out[0, 0]


def kernel(predict_pc, gt_pc):
    p_sc = predict_pc[:N_SC]
    g_sc = gt_pc[:N_SC]
    pp = jnp.concatenate(
        [p_sc, jnp.sum(p_sc * p_sc, axis=1, keepdims=True)], axis=1)
    gp = jnp.concatenate(
        [g_sc, jnp.sum(g_sc * g_sc, axis=1, keepdims=True)], axis=1)
    z1, z2 = _sc_minsq(pp, gp)
    tc_part = _tc_chamfer(predict_pc, gt_pc)
    return _finish(z1, z2, tc_part)

# --- scband reference (transcript-rebuilt; emitter-appended) ---
"""Pipeline reference for scband-chamfer-loss-47141561041505 (READ-ONLY COPY).

The authoritative reference and input builder live on the scoring server;
editing this copy changes nothing except your own understanding.
"""

import jax, jax.numpy as jnp
import numpy as np

NUM_POINTS = 2048

def setup_inputs(seed: int = 0) -> dict:
    key = jax.random.key(seed)
    k1, k2 = jax.random.split(key)
    predict_pc = jax.random.normal(k1, (8, 3, NUM_POINTS), dtype=jnp.float32)
    gt_pc = jax.random.normal(k2, (8, 3, NUM_POINTS), dtype=jnp.float32)
    return {"predict_pc": predict_pc, "gt_pc": gt_pc}

def reference(predict_pc, gt_pc):
    B = gt_pc.shape[0]
    num_points = NUM_POINTS
    # z1: for each gt point, distance to nearest predicted point
    # gt_pc.unsqueeze(-2) -> (B,3,1,Ng); predict_pc.unsqueeze(-1) -> (B,3,Np,1)
    diff1 = gt_pc[:, :, None, :] - predict_pc[:, :, :, None]      # (B,3,Np,Ng)
    d1 = jnp.linalg.norm(diff1, axis=1)                            # (B,Np,Ng)
    z1 = jnp.min(d1, axis=-2)                                      # (B,Ng)
    loss = jnp.sum(z1) / (B * num_points)
    # z2: for each predicted point, distance to nearest gt point
    diff2 = predict_pc[:, :, None, :] - gt_pc[:, :, :, None]       # (B,3,Ng,Np)
    d2 = jnp.linalg.norm(diff2, axis=1)                            # (B,Ng,Np)
    z2 = jnp.min(d2, axis=-2)                                      # (B,Np)
    loss = loss + jnp.sum(z2) / (B * num_points)
    return loss

if __name__ == "__main__":
    import jax
    _d = setup_inputs()
    print(jax.jit(kernel)(*tuple(_d.values())))

</pallas_src>

<mosaic_0001>
#map = affine_map<(d0, d1) -> (0, 0, 0)>
#map1 = affine_map<(d0, d1) -> (0, 0)>
module attributes {stable_mosaic.version = 14 : i64} {
  func.func @_sc_minsq(%arg0: i32, %arg1: i32, %arg2: memref<1x4x2048xf32, #tpu.memory_space<hbm>>, %arg3: memref<1x4x2048xf32, #tpu.memory_space<hbm>>, %arg4: memref<1x2048xf32, #tpu.memory_space<hbm>>, %arg5: memref<1x2048xf32, #tpu.memory_space<hbm>>, %arg6: memref<2048xf32, #tpu.memory_space<vmem>>, %arg7: memref<2048xf32, #tpu.memory_space<vmem>>, %arg8: memref<2048xf32, #tpu.memory_space<vmem>>, %arg9: memref<2048xf32, #tpu.memory_space<vmem>>, %arg10: memref<2048xf32, #tpu.memory_space<vmem>>, %arg11: memref<2048xf32, #tpu.memory_space<vmem>>, %arg12: memref<2048xf32, #tpu.memory_space<vmem>>, %arg13: memref<2048xf32, #tpu.memory_space<vmem>>, %arg14: memref<64xf32, #tpu.memory_space<vmem>>, %arg15: memref<64xf32, #tpu.memory_space<vmem>>) attributes {dimension_semantics = [#tpu.dimension_semantics<core_parallel>, #tpu.dimension_semantics<subcore_parallel>], iteration_bounds = array<i64: 2, 16>, scalar_prefetch = 0 : i64, scratch_operands = 10 : i64, tpu.core_type = #tpu.core_type<sc_vector_subcore>, window_params = [{transform_indices = #map}, {transform_indices = #map}, {transform_indices = #map1}, {transform_indices = #map1}]} {
    %mul3A = arith.constant 16 : i32
    %mul3A_0 = arith.muli %arg0, %mul3A : i32
    %add3A = arith.addi %mul3A_0, %arg1 : i32
    %jit3A = arith.constant 32 : i32
    %div3A = arith.divsi %add3A, %jit3A : i32
    %sign3A = arith.constant 0 : i32
    %sign3A_1 = arith.cmpi sgt, %add3A, %sign3A : i32
    %sign3A_2 = arith.extui %sign3A_1 : i1 to i32
    %sign3A_3 = arith.constant 0 : i32
    %sign3A_4 = arith.cmpi slt, %add3A, %sign3A_3 : i32
    %sign3A_5 = arith.extui %sign3A_4 : i1 to i32
    %sign3A_6 = arith.subi %sign3A_2, %sign3A_5 : i32
    %sign3A_7 = arith.constant 0 : i32
    %sign3A_8 = arith.cmpi sgt, %jit3A, %sign3A_7 : i32
    %sign3A_9 = arith.extui %sign3A_8 : i1 to i32
    %sign3A_10 = arith.constant 0 : i32
    %sign3A_11 = arith.cmpi slt, %jit3A, %sign3A_10 : i32
    %sign3A_12 = arith.extui %sign3A_11 : i1 to i32
    %sign3A_13 = arith.subi %sign3A_9, %sign3A_12 : i32
    %ne3A = arith.cmpi ne, %sign3A_6, %sign3A_13 : i32
    %rem3A = arith.remsi %add3A, %jit3A : i32
    %ne3A_14 = arith.constant 0 : i32
    %ne3A_15 = arith.cmpi ne, %rem3A, %ne3A_14 : i32
    %and3A = arith.andi %ne3A, %ne3A_15 : i1
    %sub3A = arith.constant 1 : i32
    %sub3A_16 = arith.subi %div3A, %sub3A : i32
    %select_n3A = arith.select %and3A, %sub3A_16, %div3A : i32
    %jit3A_17 = arith.constant 32 : i32
    %eq3A = arith.constant 0 : i32
    %eq3A_18 = arith.cmpi eq, %jit3A_17, %eq3A : i32
    %jit3A_19 = arith.constant 1 : i32
    %select_n3A_20 = arith.select %eq3A_18, %jit3A_19, %jit3A_17 : i32
    %rem3A_21 = arith.remsi %add3A, %select_n3A_20 : i32
    %ne3A_22 = arith.constant 0 : i32
    %ne3A_23 = arith.cmpi ne, %rem3A_21, %ne3A_22 : i32
    %lt3A = arith.constant 0 : i32
    %lt3A_24 = arith.cmpi slt, %rem3A_21, %lt3A : i32
    %lt3A_25 = arith.constant 0 : i32
    %lt3A_26 = arith.cmpi slt, %select_n3A_20, %lt3A_25 : i32
    %ne3A_27 = arith.xori %lt3A_24, %lt3A_26 : i1
    %and3A_28 = arith.andi %ne3A_27, %ne3A_23 : i1
    %add3A_29 = arith.addi %rem3A_21, %select_n3A_20 : i32
    %select_n3A_30 = arith.select %and3A_28, %add3A_29, %rem3A_21 : i32
    %run_scoped3A = arith.constant 0 : i32
    "tpu.region"() ({
      %run_scoped3A_294 = tpu.sem_alloc : memref<!tpu.dma_semaphore, #tpu.memory_space<semaphore_mem>>
      %dma_start3A = arith.constant 0 : i32
      %dma_start3A_295 = tpu.memref_slice %arg2[%select_n3A, %run_scoped3A, %dma_start3A] : memref<1x4x2048xf32, #tpu.memory_space<hbm>> -> memref<1x1x2048xf32, #tpu.memory_space<hbm>>
      %dma_start3A_296 = tpu.memref_squeeze %dma_start3A_295 : memref<1x1x2048xf32, #tpu.memory_space<hbm>> -> memref<2048xf32, #tpu.memory_space<hbm>>
      %dma_start3A_297 = arith.constant 0 : i32
      %dma_start3A_298 = tpu.memref_slice %arg2[%select_n3A, %run_scoped3A, %dma_start3A_297] : memref<1x4x2048xf32, #tpu.memory_space<hbm>> -> memref<1x1x2048xf32, #tpu.memory_space<hbm>>
      %dma_start3A_299 = tpu.memref_squeeze %dma_start3A_298 : memref<1x1x2048xf32, #tpu.memory_space<hbm>> -> memref<2048xf32, #tpu.memory_space<hbm>>
      tpu.enqueue_dma source(%dma_start3A_299 : memref<2048xf32, #tpu.memory_space<hbm>>) target(%arg6 : memref<2048xf32, #tpu.memory_space<vmem>>) target_semaphore(%run_scoped3A_294 : memref<!tpu.dma_semaphore, #tpu.memory_space<semaphore_mem>>)
      %dma_wait3A = arith.constant 0 : i32
      %dma_wait3A_300 = tpu.memref_slice %arg2[%select_n3A, %run_scoped3A, %dma_wait3A] : memref<1x4x2048xf32, #tpu.memory_space<hbm>> -> memref<1x1x2048xf32, #tpu.memory_space<hbm>>
      %dma_wait3A_301 = tpu.memref_squeeze %dma_wait3A_300 : memref<1x1x2048xf32, #tpu.memory_space<hbm>> -> memref<2048xf32, #tpu.memory_space<hbm>>
      %dma_wait3A_302 = arith.constant 0 : i32
      %dma_wait3A_303 = tpu.memref_slice %arg2[%select_n3A, %run_scoped3A, %dma_wait3A_302] : memref<1x4x2048xf32, #tpu.memory_space<hbm>> -> memref<1x1x2048xf32, #tpu.memory_space<hbm>>
      %dma_wait3A_304 = tpu.memref_squeeze %dma_wait3A_303 : memref<1x1x2048xf32, #tpu.memory_space<hbm>> -> memref<2048xf32, #tpu.memory_space<hbm>>
      tpu.wait_dma2 semaphore(%run_scoped3A_294 : memref<!tpu.dma_semaphore, #tpu.memory_space<semaphore_mem>>) src(%dma_wait3A_304 : memref<2048xf32, #tpu.memory_space<hbm>>) dst(%arg6 : memref<2048xf32, #tpu.memory_space<vmem>>)
      tpu.yield
    }) : () -> ()
    %run_scoped3A_31 = arith.constant 0 : i32
    "tpu.region"() ({
      %run_scoped3A_294 = tpu.sem_alloc : memref<!tpu.dma_semaphore, #tpu.memory_space<semaphore_mem>>
      %dma_start3A = arith.constant 0 : i32
      %dma_start3A_295 = tpu.memref_slice %arg3[%select_n3A, %run_scoped3A_31, %dma_start3A] : memref<1x4x2048xf32, #tpu.memory_space<hbm>> -> memref<1x1x2048xf32, #tpu.memory_space<hbm>>
      %dma_start3A_296 = tpu.memref_squeeze %dma_start3A_295 : memref<1x1x2048xf32, #tpu.memory_space<hbm>> -> memref<2048xf32, #tpu.memory_space<hbm>>
      %dma_start3A_297 = arith.constant 0 : i32
      %dma_start3A_298 = tpu.memref_slice %arg3[%select_n3A, %run_scoped3A_31, %dma_start3A_297] : memref<1x4x2048xf32, #tpu.memory_space<hbm>> -> memref<1x1x2048xf32, #tpu.memory_space<hbm>>
      %dma_start3A_299 = tpu.memref_squeeze %dma_start3A_298 : memref<1x1x2048xf32, #tpu.memory_space<hbm>> -> memref<2048xf32, #tpu.memory_space<hbm>>
      tpu.enqueue_dma source(%dma_start3A_299 : memref<2048xf32, #tpu.memory_space<hbm>>) target(%arg10 : memref<2048xf32, #tpu.memory_space<vmem>>) target_semaphore(%run_scoped3A_294 : memref<!tpu.dma_semaphore, #tpu.memory_space<semaphore_mem>>)
      %dma_wait3A = arith.constant 0 : i32
      %dma_wait3A_300 = tpu.memref_slice %arg3[%select_n3A, %run_scoped3A_31, %dma_wait3A] : memref<1x4x2048xf32, #tpu.memory_space<hbm>> -> memref<1x1x2048xf32, #tpu.memory_space<hbm>>
      %dma_wait3A_301 = tpu.memref_squeeze %dma_wait3A_300 : memref<1x1x2048xf32, #tpu.memory_space<hbm>> -> memref<2048xf32, #tpu.memory_space<hbm>>
      %dma_wait3A_302 = arith.constant 0 : i32
      %dma_wait3A_303 = tpu.memref_slice %arg3[%select_n3A, %run_scoped3A_31, %dma_wait3A_302] : memref<1x4x2048xf32, #tpu.memory_space<hbm>> -> memref<1x1x2048xf32, #tpu.memory_space<hbm>>
      %dma_wait3A_304 = tpu.memref_squeeze %dma_wait3A_303 : memref<1x1x2048xf32, #tpu.memory_space<hbm>> -> memref<2048xf32, #tpu.memory_space<hbm>>
      tpu.wait_dma2 semaphore(%run_scoped3A_294 : memref<!tpu.dma_semaphore, #tpu.memory_space<semaphore_mem>>) src(%dma_wait3A_304 : memref<2048xf32, #tpu.memory_space<hbm>>) dst(%arg10 : memref<2048xf32, #tpu.memory_space<vmem>>)
      tpu.yield
    }) : () -> ()
    %run_scoped3A_32 = arith.constant 1 : i32
    "tpu.region"() ({
      %run_scoped3A_294 = tpu.sem_alloc : memref<!tpu.dma_semaphore, #tpu.memory_space<semaphore_mem>>
      %dma_start3A = arith.constant 0 : i32
      %dma_start3A_295 = tpu.memref_slice %arg2[%select_n3A, %run_scoped3A_32, %dma_start3A] : memref<1x4x2048xf32, #tpu.memory_space<hbm>> -> memref<1x1x2048xf32, #tpu.memory_space<hbm>>
      %dma_start3A_296 = tpu.memref_squeeze %dma_start3A_295 : memref<1x1x2048xf32, #tpu.memory_space<hbm>> -> memref<2048xf32, #tpu.memory_space<hbm>>
      %dma_start3A_297 = arith.constant 0 : i32
      %dma_start3A_298 = tpu.memref_slice %arg2[%select_n3A, %run_scoped3A_32, %dma_start3A_297] : memref<1x4x2048xf32, #tpu.memory_space<hbm>> -> memref<1x1x2048xf32, #tpu.memory_space<hbm>>
      %dma_start3A_299 = tpu.memref_squeeze %dma_start3A_298 : memref<1x1x2048xf32, #tpu.memory_space<hbm>> -> memref<2048xf32, #tpu.memory_space<hbm>>
      tpu.enqueue_dma source(%dma_start3A_299 : memref<2048xf32, #tpu.memory_space<hbm>>) target(%arg7 : memref<2048xf32, #tpu.memory_space<vmem>>) target_semaphore(%run_scoped3A_294 : memref<!tpu.dma_semaphore, #tpu.memory_space<semaphore_mem>>)
      %dma_wait3A = arith.constant 0 : i32
      %dma_wait3A_300 = tpu.memref_slice %arg2[%select_n3A, %run_scoped3A_32, %dma_wait3A] : memref<1x4x2048xf32, #tpu.memory_space<hbm>> -> memref<1x1x2048xf32, #tpu.memory_space<hbm>>
      %dma_wait3A_301 = tpu.memref_squeeze %dma_wait3A_300 : memref<1x1x2048xf32, #tpu.memory_space<hbm>> -> memref<2048xf32, #tpu.memory_space<hbm>>
      %dma_wait3A_302 = arith.constant 0 : i32
      %dma_wait3A_303 = tpu.memref_slice %arg2[%select_n3A, %run_scoped3A_32, %dma_wait3A_302] : memref<1x4x2048xf32, #tpu.memory_space<hbm>> -> memref<1x1x2048xf32, #tpu.memory_space<hbm>>
      %dma_wait3A_304 = tpu.memref_squeeze %dma_wait3A_303 : memref<1x1x2048xf32, #tpu.memory_space<hbm>> -> memref<2048xf32, #tpu.memory_space<hbm>>
      tpu.wait_dma2 semaphore(%run_scoped3A_294 : memref<!tpu.dma_semaphore, #tpu.memory_space<semaphore_mem>>) src(%dma_wait3A_304 : memref<2048xf32, #tpu.memory_space<hbm>>) dst(%arg7 : memref<2048xf32, #tpu.memory_space<vmem>>)
      tpu.yield
    }) : () -> ()
    %run_scoped3A_33 = arith.constant 1 : i32
    "tpu.region"() ({
      %run_scoped3A_294 = tpu.sem_alloc : memref<!tpu.dma_semaphore, #tpu.memory_space<semaphore_mem>>
      %dma_start3A = arith.constant 0 : i32
      %dma_start3A_295 = tpu.memref_slice %arg3[%select_n3A, %run_scoped3A_33, %dma_start3A] : memref<1x4x2048xf32, #tpu.memory_space<hbm>> -> memref<1x1x2048xf32, #tpu.memory_space<hbm>>
      %dma_start3A_296 = tpu.memref_squeeze %dma_start3A_295 : memref<1x1x2048xf32, #tpu.memory_space<hbm>> -> memref<2048xf32, #tpu.memory_space<hbm>>
      %dma_start3A_297 = arith.constant 0 : i32
      %dma_start3A_298 = tpu.memref_slice %arg3[%select_n3A, %run_scoped3A_33, %dma_start3A_297] : memref<1x4x2048xf32, #tpu.memory_space<hbm>> -> memref<1x1x2048xf32, #tpu.memory_space<hbm>>
      %dma_start3A_299 = tpu.memref_squeeze %dma_start3A_298 : memref<1x1x2048xf32, #tpu.memory_space<hbm>> -> memref<2048xf32, #tpu.memory_space<hbm>>
      tpu.enqueue_dma source(%dma_start3A_299 : memref<2048xf32, #tpu.memory_space<hbm>>) target(%arg11 : memref<2048xf32, #tpu.memory_space<vmem>>) target_semaphore(%run_scoped3A_294 : memref<!tpu.dma_semaphore, #tpu.memory_space<semaphore_mem>>)
      %dma_wait3A = arith.constant 0 : i32
      %dma_wait3A_300 = tpu.memref_slice %arg3[%select_n3A, %run_scoped3A_33, %dma_wait3A] : memref<1x4x2048xf32, #tpu.memory_space<hbm>> -> memref<1x1x2048xf32, #tpu.memory_space<hbm>>
      %dma_wait3A_301 = tpu.memref_squeeze %dma_wait3A_300 : memref<1x1x2048xf32, #tpu.memory_space<hbm>> -> memref<2048xf32, #tpu.memory_space<hbm>>
      %dma_wait3A_302 = arith.constant 0 : i32
      %dma_wait3A_303 = tpu.memref_slice %arg3[%select_n3A, %run_scoped3A_33, %dma_wait3A_302] : memref<1x4x2048xf32, #tpu.memory_space<hbm>> -> memref<1x1x2048xf32, #tpu.memory_space<hbm>>
      %dma_wait3A_304 = tpu.memref_squeeze %dma_wait3A_303 : memref<1x1x2048xf32, #tpu.memory_space<hbm>> -> memref<2048xf32, #tpu.memory_space<hbm>>
      tpu.wait_dma2 semaphore(%run_scoped3A_294 : memref<!tpu.dma_semaphore, #tpu.memory_space<semaphore_mem>>) src(%dma_wait3A_304 : memref<2048xf32, #tpu.memory_space<hbm>>) dst(%arg11 : memref<2048xf32, #tpu.memory_space<vmem>>)
      tpu.yield
    }) : () -> ()
    %run_scoped3A_34 = arith.constant 2 : i32
    "tpu.region"() ({
      %run_scoped3A_294 = tpu.sem_alloc : memref<!tpu.dma_semaphore, #tpu.memory_space<semaphore_mem>>
      %dma_start3A = arith.constant 0 : i32
      %dma_start3A_295 = tpu.memref_slice %arg2[%select_n3A, %run_scoped3A_34, %dma_start3A] : memref<1x4x2048xf32, #tpu.memory_space<hbm>> -> memref<1x1x2048xf32, #tpu.memory_space<hbm>>
      %dma_start3A_296 = tpu.memref_squeeze %dma_start3A_295 : memref<1x1x2048xf32, #tpu.memory_space<hbm>> -> memref<2048xf32, #tpu.memory_space<hbm>>
      %dma_start3A_297 = arith.constant 0 : i32
      %dma_start3A_298 = tpu.memref_slice %arg2[%select_n3A, %run_scoped3A_34, %dma_start3A_297] : memref<1x4x2048xf32, #tpu.memory_space<hbm>> -> memref<1x1x2048xf32, #tpu.memory_space<hbm>>
      %dma_start3A_299 = tpu.memref_squeeze %dma_start3A_298 : memref<1x1x2048xf32, #tpu.memory_space<hbm>> -> memref<2048xf32, #tpu.memory_space<hbm>>
      tpu.enqueue_dma source(%dma_start3A_299 : memref<2048xf32, #tpu.memory_space<hbm>>) target(%arg8 : memref<2048xf32, #tpu.memory_space<vmem>>) target_semaphore(%run_scoped3A_294 : memref<!tpu.dma_semaphore, #tpu.memory_space<semaphore_mem>>)
      %dma_wait3A = arith.constant 0 : i32
      %dma_wait3A_300 = tpu.memref_slice %arg2[%select_n3A, %run_scoped3A_34, %dma_wait3A] : memref<1x4x2048xf32, #tpu.memory_space<hbm>> -> memref<1x1x2048xf32, #tpu.memory_space<hbm>>
      %dma_wait3A_301 = tpu.memref_squeeze %dma_wait3A_300 : memref<1x1x2048xf32, #tpu.memory_space<hbm>> -> memref<2048xf32, #tpu.memory_space<hbm>>
      %dma_wait3A_302 = arith.constant 0 : i32
      %dma_wait3A_303 = tpu.memref_slice %arg2[%select_n3A, %run_scoped3A_34, %dma_wait3A_302] : memref<1x4x2048xf32, #tpu.memory_space<hbm>> -> memref<1x1x2048xf32, #tpu.memory_space<hbm>>
      %dma_wait3A_304 = tpu.memref_squeeze %dma_wait3A_303 : memref<1x1x2048xf32, #tpu.memory_space<hbm>> -> memref<2048xf32, #tpu.memory_space<hbm>>
      tpu.wait_dma2 semaphore(%run_scoped3A_294 : memref<!tpu.dma_semaphore, #tpu.memory_space<semaphore_mem>>) src(%dma_wait3A_304 : memref<2048xf32, #tpu.memory_space<hbm>>) dst(%arg8 : memref<2048xf32, #tpu.memory_space<vmem>>)
      tpu.yield
    }) : () -> ()
    %run_scoped3A_35 = arith.constant 2 : i32
    "tpu.region"() ({
      %run_scoped3A_294 = tpu.sem_alloc : memref<!tpu.dma_semaphore, #tpu.memory_space<semaphore_mem>>
      %dma_start3A = arith.constant 0 : i32
      %dma_start3A_295 = tpu.memref_slice %arg3[%select_n3A, %run_scoped3A_35, %dma_start3A] : memref<1x4x2048xf32, #tpu.memory_space<hbm>> -> memref<1x1x2048xf32, #tpu.memory_space<hbm>>
      %dma_start3A_296 = tpu.memref_squeeze %dma_start3A_295 : memref<1x1x2048xf32, #tpu.memory_space<hbm>> -> memref<2048xf32, #tpu.memory_space<hbm>>
      %dma_start3A_297 = arith.constant 0 : i32
      %dma_start3A_298 = tpu.memref_slice %arg3[%select_n3A, %run_scoped3A_35, %dma_start3A_297] : memref<1x4x2048xf32, #tpu.memory_space<hbm>> -> memref<1x1x2048xf32, #tpu.memory_space<hbm>>
      %dma_start3A_299 = tpu.memref_squeeze %dma_start3A_298 : memref<1x1x2048xf32, #tpu.memory_space<hbm>> -> memref<2048xf32, #tpu.memory_space<hbm>>
      tpu.enqueue_dma source(%dma_start3A_299 : memref<2048xf32, #tpu.memory_space<hbm>>) target(%arg12 : memref<2048xf32, #tpu.memory_space<vmem>>) target_semaphore(%run_scoped3A_294 : memref<!tpu.dma_semaphore, #tpu.memory_space<semaphore_mem>>)
      %dma_wait3A = arith.constant 0 : i32
      %dma_wait3A_300 = tpu.memref_slice %arg3[%select_n3A, %run_scoped3A_35, %dma_wait3A] : memref<1x4x2048xf32, #tpu.memory_space<hbm>> -> memref<1x1x2048xf32, #tpu.memory_space<hbm>>
      %dma_wait3A_301 = tpu.memref_squeeze %dma_wait3A_300 : memref<1x1x2048xf32, #tpu.memory_space<hbm>> -> memref<2048xf32, #tpu.memory_space<hbm>>
      %dma_wait3A_302 = arith.constant 0 : i32
      %dma_wait3A_303 = tpu.memref_slice %arg3[%select_n3A, %run_scoped3A_35, %dma_wait3A_302] : memref<1x4x2048xf32, #tpu.memory_space<hbm>> -> memref<1x1x2048xf32, #tpu.memory_space<hbm>>
      %dma_wait3A_304 = tpu.memref_squeeze %dma_wait3A_303 : memref<1x1x2048xf32, #tpu.memory_space<hbm>> -> memref<2048xf32, #tpu.memory_space<hbm>>
      tpu.wait_dma2 semaphore(%run_scoped3A_294 : memref<!tpu.dma_semaphore, #tpu.memory_space<semaphore_mem>>) src(%dma_wait3A_304 : memref<2048xf32, #tpu.memory_space<hbm>>) dst(%arg12 : memref<2048xf32, #tpu.memory_space<vmem>>)
      tpu.yield
    }) : () -> ()
    %run_scoped3A_36 = arith.constant 3 : i32
    "tpu.region"() ({
      %run_scoped3A_294 = tpu.sem_alloc : memref<!tpu.dma_semaphore, #tpu.memory_space<semaphore_mem>>
      %dma_start3A = arith.constant 0 : i32
      %dma_start3A_295 = tpu.memref_slice %arg2[%select_n3A, %run_scoped3A_36, %dma_start3A] : memref<1x4x2048xf32, #tpu.memory_space<hbm>> -> memref<1x1x2048xf32, #tpu.memory_space<hbm>>
      %dma_start3A_296 = tpu.memref_squeeze %dma_start3A_295 : memref<1x1x2048xf32, #tpu.memory_space<hbm>> -> memref<2048xf32, #tpu.memory_space<hbm>>
      %dma_start3A_297 = arith.constant 0 : i32
      %dma_start3A_298 = tpu.memref_slice %arg2[%select_n3A, %run_scoped3A_36, %dma_start3A_297] : memref<1x4x2048xf32, #tpu.memory_space<hbm>> -> memref<1x1x2048xf32, #tpu.memory_space<hbm>>
      %dma_start3A_299 = tpu.memref_squeeze %dma_start3A_298 : memref<1x1x2048xf32, #tpu.memory_space<hbm>> -> memref<2048xf32, #tpu.memory_space<hbm>>
      tpu.enqueue_dma source(%dma_start3A_299 : memref<2048xf32, #tpu.memory_space<hbm>>) target(%arg9 : memref<2048xf32, #tpu.memory_space<vmem>>) target_semaphore(%run_scoped3A_294 : memref<!tpu.dma_semaphore, #tpu.memory_space<semaphore_mem>>)
      %dma_wait3A = arith.constant 0 : i32
      %dma_wait3A_300 = tpu.memref_slice %arg2[%select_n3A, %run_scoped3A_36, %dma_wait3A] : memref<1x4x2048xf32, #tpu.memory_space<hbm>> -> memref<1x1x2048xf32, #tpu.memory_space<hbm>>
      %dma_wait3A_301 = tpu.memref_squeeze %dma_wait3A_300 : memref<1x1x2048xf32, #tpu.memory_space<hbm>> -> memref<2048xf32, #tpu.memory_space<hbm>>
      %dma_wait3A_302 = arith.constant 0 : i32
      %dma_wait3A_303 = tpu.memref_slice %arg2[%select_n3A, %run_scoped3A_36, %dma_wait3A_302] : memref<1x4x2048xf32, #tpu.memory_space<hbm>> -> memref<1x1x2048xf32, #tpu.memory_space<hbm>>
      %dma_wait3A_304 = tpu.memref_squeeze %dma_wait3A_303 : memref<1x1x2048xf32, #tpu.memory_space<hbm>> -> memref<2048xf32, #tpu.memory_space<hbm>>
      tpu.wait_dma2 semaphore(%run_scoped3A_294 : memref<!tpu.dma_semaphore, #tpu.memory_space<semaphore_mem>>) src(%dma_wait3A_304 : memref<2048xf32, #tpu.memory_space<hbm>>) dst(%arg9 : memref<2048xf32, #tpu.memory_space<vmem>>)
      tpu.yield
    }) : () -> ()
    %run_scoped3A_37 = arith.constant 3 : i32
    "tpu.region"() ({
      %run_scoped3A_294 = tpu.sem_alloc : memref<!tpu.dma_semaphore, #tpu.memory_space<semaphore_mem>>
      %dma_start3A = arith.constant 0 : i32
      %dma_start3A_295 = tpu.memref_slice %arg3[%select_n3A, %run_scoped3A_37, %dma_start3A] : memref<1x4x2048xf32, #tpu.memory_space<hbm>> -> memref<1x1x2048xf32, #tpu.memory_space<hbm>>
      %dma_start3A_296 = tpu.memref_squeeze %dma_start3A_295 : memref<1x1x2048xf32, #tpu.memory_space<hbm>> -> memref<2048xf32, #tpu.memory_space<hbm>>
      %dma_start3A_297 = arith.constant 0 : i32
      %dma_start3A_298 = tpu.memref_slice %arg3[%select_n3A, %run_scoped3A_37, %dma_start3A_297] : memref<1x4x2048xf32, #tpu.memory_space<hbm>> -> memref<1x1x2048xf32, #tpu.memory_space<hbm>>
      %dma_start3A_299 = tpu.memref_squeeze %dma_start3A_298 : memref<1x1x2048xf32, #tpu.memory_space<hbm>> -> memref<2048xf32, #tpu.memory_space<hbm>>
      tpu.enqueue_dma source(%dma_start3A_299 : memref<2048xf32, #tpu.memory_space<hbm>>) target(%arg13 : memref<2048xf32, #tpu.memory_space<vmem>>) target_semaphore(%run_scoped3A_294 : memref<!tpu.dma_semaphore, #tpu.memory_space<semaphore_mem>>)
      %dma_wait3A = arith.constant 0 : i32
      %dma_wait3A_300 = tpu.memref_slice %arg3[%select_n3A, %run_scoped3A_37, %dma_wait3A] : memref<1x4x2048xf32, #tpu.memory_space<hbm>> -> memref<1x1x2048xf32, #tpu.memory_space<hbm>>
      %dma_wait3A_301 = tpu.memref_squeeze %dma_wait3A_300 : memref<1x1x2048xf32, #tpu.memory_space<hbm>> -> memref<2048xf32, #tpu.memory_space<hbm>>
      %dma_wait3A_302 = arith.constant 0 : i32
      %dma_wait3A_303 = tpu.memref_slice %arg3[%select_n3A, %run_scoped3A_37, %dma_wait3A_302] : memref<1x4x2048xf32, #tpu.memory_space<hbm>> -> memref<1x1x2048xf32, #tpu.memory_space<hbm>>
      %dma_wait3A_304 = tpu.memref_squeeze %dma_wait3A_303 : memref<1x1x2048xf32, #tpu.memory_space<hbm>> -> memref<2048xf32, #tpu.memory_space<hbm>>
      tpu.wait_dma2 semaphore(%run_scoped3A_294 : memref<!tpu.dma_semaphore, #tpu.memory_space<semaphore_mem>>) src(%dma_wait3A_304 : memref<2048xf32, #tpu.memory_space<hbm>>) dst(%arg13 : memref<2048xf32, #tpu.memory_space<vmem>>)
      tpu.yield
    }) : () -> ()
    %mul3A_38 = arith.constant 64 : i32
    %mul3A_39 = arith.muli %select_n3A_30, %mul3A_38 : i32
    %add3A_40 = arith.constant 0 : i32
    %add3A_41 = arith.addi %mul3A_39, %add3A_40 : i32
    %add3A_42 = arith.constant 0 : i32
    %add3A_43 = arith.addi %add3A_41, %add3A_42 : i32
    %get3A = arith.index_cast %add3A_43 : i32 to index
    %get3A_44 = tpu.vector_load %arg10[%get3A] {strides = array<i32>} : memref<2048xf32, #tpu.memory_space<vmem>>, vector<16xf32>,
    %mul3A_45 = arith.constant -2.000000e+00 : f32
    %mul3A_46 = vector.broadcast %mul3A_45 : f32 to vector<16xf32>
    %mul3A_47 = arith.mulf %get3A_44, %mul3A_46 : vector<16xf32>
    %add3A_48 = arith.constant 16 : i32
    %add3A_49 = arith.addi %add3A_41, %add3A_48 : i32
    %get3A_50 = arith.index_cast %add3A_49 : i32 to index
    %get3A_51 = tpu.vector_load %arg10[%get3A_50] {strides = array<i32>} : memref<2048xf32, #tpu.memory_space<vmem>>, vector<16xf32>,
    %mul3A_52 = arith.constant -2.000000e+00 : f32
    %mul3A_53 = vector.broadcast %mul3A_52 : f32 to vector<16xf32>
    %mul3A_54 = arith.mulf %get3A_51, %mul3A_53 : vector<16xf32>
    %add3A_55 = arith.constant 32 : i32
    %add3A_56 = arith.addi %add3A_41, %add3A_55 : i32
    %get3A_57 = arith.index_cast %add3A_56 : i32 to index
    %get3A_58 = tpu.vector_load %arg10[%get3A_57] {strides = array<i32>} : memref<2048xf32, #tpu.memory_space<vmem>>, vector<16xf32>,
    %mul3A_59 = arith.constant -2.000000e+00 : f32
    %mul3A_60 = vector.broadcast %mul3A_59 : f32 to vector<16xf32>
    %mul3A_61 = arith.mulf %get3A_58, %mul3A_60 : vector<16xf32>
    %add3A_62 = arith.constant 48 : i32
    %add3A_63 = arith.addi %add3A_41, %add3A_62 : i32
    %get3A_64 = arith.index_cast %add3A_63 : i32 to index
    %get3A_65 = tpu.vector_load %arg10[%get3A_64] {strides = array<i32>} : memref<2048xf32, #tpu.memory_space<vmem>>, vector<16xf32>,
    %mul3A_66 = arith.constant -2.000000e+00 : f32
    %mul3A_67 = vector.broadcast %mul3A_66 : f32 to vector<16xf32>
    %mul3A_68 = arith.mulf %get3A_65, %mul3A_67 : vector<16xf32>
    %add3A_69 = arith.constant 0 : i32
    %add3A_70 = arith.addi %add3A_41, %add3A_69 : i32
    %get3A_71 = arith.index_cast %add3A_70 : i32 to index
    %get3A_72 = tpu.vector_load %arg11[%get3A_71] {strides = array<i32>} : memref<2048xf32, #tpu.memory_space<vmem>>, vector<16xf32>,
    %mul3A_73 = arith.constant -2.000000e+00 : f32
    %mul3A_74 = vector.broadcast %mul3A_73 : f32 to vector<16xf32>
    %mul3A_75 = arith.mulf %get3A_72, %mul3A_74 : vector<16xf32>
    %add3A_76 = arith.constant 16 : i32
    %add3A_77 = arith.addi %add3A_41, %add3A_76 : i32
    %get3A_78 = arith.index_cast %add3A_77 : i32 to index
    %get3A_79 = tpu.vector_load %arg11[%get3A_78] {strides = array<i32>} : memref<2048xf32, #tpu.memory_space<vmem>>, vector<16xf32>,
    %mul3A_80 = arith.constant -2.000000e+00 : f32
    %mul3A_81 = vector.broadcast %mul3A_80 : f32 to vector<16xf32>
    %mul3A_82 = arith.mulf %get3A_79, %mul3A_81 : vector<16xf32>
    %add3A_83 = arith.constant 32 : i32
    %add3A_84 = arith.addi %add3A_41, %add3A_83 : i32
    %get3A_85 = arith.index_cast %add3A_84 : i32 to index
    %get3A_86 = tpu.vector_load %arg11[%get3A_85] {strides = array<i32>} : memref<2048xf32, #tpu.memory_space<vmem>>, vector<16xf32>,
    %mul3A_87 = arith.constant -2.000000e+00 : f32
    %mul3A_88 = vector.broadcast %mul3A_87 : f32 to vector<16xf32>
    %mul3A_89 = arith.mulf %get3A_86, %mul3A_88 : vector<16xf32>
    %add3A_90 = arith.constant 48 : i32
    %add3A_91 = arith.addi %add3A_41, %add3A_90 : i32
    %get3A_92 = arith.index_cast %add3A_91 : i32 to index
    %get3A_93 = tpu.vector_load %arg11[%get3A_92] {strides = array<i32>} : memref<2048xf32, #tpu.memory_space<vmem>>, vector<16xf32>,
    %mul3A_94 = arith.constant -2.000000e+00 : f32
    %mul3A_95 = vector.broadcast %mul3A_94 : f32 to vector<16xf32>
    %mul3A_96 = arith.mulf %get3A_93, %mul3A_95 : vector<16xf32>
    %add3A_97 = arith.constant 0 : i32
    %add3A_98 = arith.addi %add3A_41, %add3A_97 : i32
    %get3A_99 = arith.index_cast %add3A_98 : i32 to index
    %get3A_100 = tpu.vector_load %arg12[%get3A_99] {strides = array<i32>} : memref<2048xf32, #tpu.memory_space<vmem>>, vector<16xf32>,
    %mul3A_101 = arith.constant -2.000000e+00 : f32
    %mul3A_102 = vector.broadcast %mul3A_101 : f32 to vector<16xf32>
    %mul3A_103 = arith.mulf %get3A_100, %mul3A_102 : vector<16xf32>
    %add3A_104 = arith.constant 16 : i32
    %add3A_105 = arith.addi %add3A_41, %add3A_104 : i32
    %get3A_106 = arith.index_cast %add3A_105 : i32 to index
    %get3A_107 = tpu.vector_load %arg12[%get3A_106] {strides = array<i32>} : memref<2048xf32, #tpu.memory_space<vmem>>, vector<16xf32>,
    %mul3A_108 = arith.constant -2.000000e+00 : f32
    %mul3A_109 = vector.broadcast %mul3A_108 : f32 to vector<16xf32>
    %mul3A_110 = arith.mulf %get3A_107, %mul3A_109 : vector<16xf32>
    %add3A_111 = arith.constant 32 : i32
    %add3A_112 = arith.addi %add3A_41, %add3A_111 : i32
    %get3A_113 = arith.index_cast %add3A_112 : i32 to index
    %get3A_114 = tpu.vector_load %arg12[%get3A_113] {strides = array<i32>} : memref<2048xf32, #tpu.memory_space<vmem>>, vector<16xf32>,
    %mul3A_115 = arith.constant -2.000000e+00 : f32
    %mul3A_116 = vector.broadcast %mul3A_115 : f32 to vector<16xf32>
    %mul3A_117 = arith.mulf %get3A_114, %mul3A_116 : vector<16xf32>
    %add3A_118 = arith.constant 48 : i32
    %add3A_119 = arith.addi %add3A_41, %add3A_118 : i32
    %get3A_120 = arith.index_cast %add3A_119 : i32 to index
    %get3A_121 = tpu.vector_load %arg12[%get3A_120] {strides = array<i32>} : memref<2048xf32, #tpu.memory_space<vmem>>, vector<16xf32>,
    %mul3A_122 = arith.constant -2.000000e+00 : f32
    %mul3A_123 = vector.broadcast %mul3A_122 : f32 to vector<16xf32>
    %mul3A_124 = arith.mulf %get3A_121, %mul3A_123 : vector<16xf32>
    %broadcast_in_dim3A = arith.constant 0x7F800000 : f32
    %broadcast_in_dim3A_125 = vector.broadcast %broadcast_in_dim3A : f32 to vector<16xf32>
    %broadcast_in_dim3A_126 = arith.constant 0x7F800000 : f32
    %broadcast_in_dim3A_127 = vector.broadcast %broadcast_in_dim3A_126 : f32 to vector<16xf32>
    %broadcast_in_dim3A_128 = arith.constant 0x7F800000 : f32
    %broadcast_in_dim3A_129 = vector.broadcast %broadcast_in_dim3A_128 : f32 to vector<16xf32>
    %broadcast_in_dim3A_130 = arith.constant 0x7F800000 : f32
    %broadcast_in_dim3A_131 = vector.broadcast %broadcast_in_dim3A_130 : f32 to vector<16xf32>
    %parallel_loop3A = arith.constant 0 : i32
    %parallel_loop3A_132 = arith.constant 2048 : i32
    %parallel_loop3A_133 = arith.constant 1 : i32
    %parallel_loop3A_134:4 = scf.for %parallel_loop3A_294 = %parallel_loop3A to %parallel_loop3A_132 step %parallel_loop3A_133 iter_args(%parallel_loop3A_295 = %broadcast_in_dim3A_125, %parallel_loop3A_296 = %broadcast_in_dim3A_127, %parallel_loop3A_297 = %broadcast_in_dim3A_129, %parallel_loop3A_298 = %broadcast_in_dim3A_131) -> (vector<16xf32>, vector<16xf32>, vector<16xf32>, vector<16xf32>)  : i32 {
      %parallel_loop3A_299 = vector.broadcast %parallel_loop3A_294 : i32 to vector<16xi32>
      %parallel_loop3A_300 = tpu.vector_load_idx %arg6[%parallel_loop3A_299] : memref<2048xf32, #tpu.memory_space<vmem>>[vector<16xi32>], vector<16xf32>,
      %parallel_loop3A_301 = tpu.vector_load_idx %arg7[%parallel_loop3A_299] : memref<2048xf32, #tpu.memory_space<vmem>>[vector<16xi32>], vector<16xf32>,
      %parallel_loop3A_302 = tpu.vector_load_idx %arg8[%parallel_loop3A_299] : memref<2048xf32, #tpu.memory_space<vmem>>[vector<16xi32>], vector<16xf32>,
      %parallel_loop3A_303 = tpu.vector_load_idx %arg9[%parallel_loop3A_299] : memref<2048xf32, #tpu.memory_space<vmem>>[vector<16xi32>], vector<16xf32>,
      %parallel_loop3A_304 = arith.mulf %parallel_loop3A_300, %mul3A_47 : vector<16xf32>
      %parallel_loop3A_305 = arith.mulf %parallel_loop3A_301, %mul3A_75 : vector<16xf32>
      %parallel_loop3A_306 = arith.addf %parallel_loop3A_304, %parallel_loop3A_305 : vector<16xf32>
      %parallel_loop3A_307 = arith.mulf %parallel_loop3A_302, %mul3A_103 : vector<16xf32>
      %parallel_loop3A_308 = arith.addf %parallel_loop3A_306, %parallel_loop3A_307 : vector<16xf32>
      %parallel_loop3A_309 = arith.addf %parallel_loop3A_308, %parallel_loop3A_303 : vector<16xf32>
      %parallel_loop3A_310 = arith.minimumf %parallel_loop3A_295, %parallel_loop3A_309 : vector<16xf32>
      %parallel_loop3A_311 = arith.mulf %parallel_loop3A_300, %mul3A_54 : vector<16xf32>
      %parallel_loop3A_312 = arith.mulf %parallel_loop3A_301, %mul3A_82 : vector<16xf32>
      %parallel_loop3A_313 = arith.addf %parallel_loop3A_311, %parallel_loop3A_312 : vector<16xf32>
      %parallel_loop3A_314 = arith.mulf %parallel_loop3A_302, %mul3A_110 : vector<16xf32>
      %parallel_loop3A_315 = arith.addf %parallel_loop3A_313, %parallel_loop3A_314 : vector<16xf32>
      %parallel_loop3A_316 = arith.addf %parallel_loop3A_315, %parallel_loop3A_303 : vector<16xf32>
      %parallel_loop3A_317 = arith.minimumf %parallel_loop3A_296, %parallel_loop3A_316 : vector<16xf32>
      %parallel_loop3A_318 = arith.mulf %parallel_loop3A_300, %mul3A_61 : vector<16xf32>
      %parallel_loop3A_319 = arith.mulf %parallel_loop3A_301, %mul3A_89 : vector<16xf32>
      %parallel_loop3A_320 = arith.addf %parallel_loop3A_318, %parallel_loop3A_319 : vector<16xf32>
      %parallel_loop3A_321 = arith.mulf %parallel_loop3A_302, %mul3A_117 : vector<16xf32>
      %parallel_loop3A_322 = arith.addf %parallel_loop3A_320, %parallel_loop3A_321 : vector<16xf32>
      %parallel_loop3A_323 = arith.addf %parallel_loop3A_322, %parallel_loop3A_303 : vector<16xf32>
      %parallel_loop3A_324 = arith.minimumf %parallel_loop3A_297, %parallel_loop3A_323 : vector<16xf32>
      %parallel_loop3A_325 = arith.mulf %parallel_loop3A_300, %mul3A_68 : vector<16xf32>
      %parallel_loop3A_326 = arith.mulf %parallel_loop3A_301, %mul3A_96 : vector<16xf32>
      %parallel_loop3A_327 = arith.addf %parallel_loop3A_325, %parallel_loop3A_326 : vector<16xf32>
      %parallel_loop3A_328 = arith.mulf %parallel_loop3A_302, %mul3A_124 : vector<16xf32>
      %parallel_loop3A_329 = arith.addf %parallel_loop3A_327, %parallel_loop3A_328 : vector<16xf32>
      %parallel_loop3A_330 = arith.addf %parallel_loop3A_329, %parallel_loop3A_303 : vector<16xf32>
      %parallel_loop3A_331 = arith.minimumf %parallel_loop3A_298, %parallel_loop3A_330 : vector<16xf32>
      scf.yield %parallel_loop3A_310, %parallel_loop3A_317, %parallel_loop3A_324, %parallel_loop3A_331 : vector<16xf32>, vector<16xf32>, vector<16xf32>, vector<16xf32>
    } {sc.loop_unroll_factor = 2 : i64, sc.parallel_access}
    %add3A_135 = arith.constant 0 : i32
    %add3A_136 = arith.addi %add3A_41, %add3A_135 : i32
    %get3A_137 = arith.index_cast %add3A_136 : i32 to index
    %get3A_138 = tpu.vector_load %arg13[%get3A_137] {strides = array<i32>} : memref<2048xf32, #tpu.memory_space<vmem>>, vector<16xf32>,
    %add3A_139 = arith.addf %parallel_loop3A_134#0, %get3A_138 : vector<16xf32>
    %swap3A = arith.constant 0 : index
    %swap3A_140 = tpu.vector_load %arg14[%swap3A] {strides = array<i32>} : memref<64xf32, #tpu.memory_space<vmem>>, vector<16xf32>,
    tpu.vector_store %arg14[%swap3A], %add3A_139 {strides = array<i32>} : memref<64xf32, #tpu.memory_space<vmem>>, vector<16xf32>,
    %add3A_141 = arith.constant 16 : i32
    %add3A_142 = arith.addi %add3A_41, %add3A_141 : i32
    %get3A_143 = arith.index_cast %add3A_142 : i32 to index
    %get3A_144 = tpu.vector_load %arg13[%get3A_143] {strides = array<i32>} : memref<2048xf32, #tpu.memory_space<vmem>>, vector<16xf32>,
    %add3A_145 = arith.addf %parallel_loop3A_134#1, %get3A_144 : vector<16xf32>
    %swap3A_146 = arith.constant 16 : index
    %swap3A_147 = tpu.vector_load %arg14[%swap3A_146] {strides = array<i32>} : memref<64xf32, #tpu.memory_space<vmem>>, vector<16xf32>,
    tpu.vector_store %arg14[%swap3A_146], %add3A_145 {strides = array<i32>} : memref<64xf32, #tpu.memory_space<vmem>>, vector<16xf32>,
    %add3A_148 = arith.constant 32 : i32
    %add3A_149 = arith.addi %add3A_41, %add3A_148 : i32
    %get3A_150 = arith.index_cast %add3A_149 : i32 to index
    %get3A_151 = tpu.vector_load %arg13[%get3A_150] {strides = array<i32>} : memref<2048xf32, #tpu.memory_space<vmem>>, vector<16xf32>,
    %add3A_152 = arith.addf %parallel_loop3A_134#2, %get3A_151 : vector<16xf32>
    %swap3A_153 = arith.constant 32 : index
    %swap3A_154 = tpu.vector_load %arg14[%swap3A_153] {strides = array<i32>} : memref<64xf32, #tpu.memory_space<vmem>>, vector<16xf32>,
    tpu.vector_store %arg14[%swap3A_153], %add3A_152 {strides = array<i32>} : memref<64xf32, #tpu.memory_space<vmem>>, vector<16xf32>,
    %add3A_155 = arith.constant 48 : i32
    %add3A_156 = arith.addi %add3A_41, %add3A_155 : i32
    %get3A_157 = arith.index_cast %add3A_156 : i32 to index
    %get3A_158 = tpu.vector_load %arg13[%get3A_157] {strides = array<i32>} : memref<2048xf32, #tpu.memory_space<vmem>>, vector<16xf32>,
    %add3A_159 = arith.addf %parallel_loop3A_134#3, %get3A_158 : vector<16xf32>
    %swap3A_160 = arith.constant 48 : index
    %swap3A_161 = tpu.vector_load %arg14[%swap3A_160] {strides = array<i32>} : memref<64xf32, #tpu.memory_space<vmem>>, vector<16xf32>,
    tpu.vector_store %arg14[%swap3A_160], %add3A_159 {strides = array<i32>} : memref<64xf32, #tpu.memory_space<vmem>>, vector<16xf32>,
    %mul3A_162 = arith.constant 64 : i32
    %mul3A_163 = arith.muli %select_n3A_30, %mul3A_162 : i32
    "tpu.region"() ({
      %run_scoped3A_294 = tpu.sem_alloc : memref<!tpu.dma_semaphore, #tpu.memory_space<semaphore_mem>>
      %dma_start3A = tpu.memref_slice %arg4[%select_n3A, %mul3A_163] : memref<1x2048xf32, #tpu.memory_space<hbm>> -> memref<1x64xf32, #tpu.memory_space<hbm>>
      %dma_start3A_295 = tpu.memref_squeeze %dma_start3A : memref<1x64xf32, #tpu.memory_space<hbm>> -> memref<64xf32, #tpu.memory_space<hbm>>
      %dma_start3A_296 = tpu.memref_slice %arg4[%select_n3A, %mul3A_163] : memref<1x2048xf32, #tpu.memory_space<hbm>> -> memref<1x64xf32, #tpu.memory_space<hbm>>
      %dma_start3A_297 = tpu.memref_squeeze %dma_start3A_296 : memref<1x64xf32, #tpu.memory_space<hbm>> -> memref<64xf32, #tpu.memory_space<hbm>>
      tpu.enqueue_dma source(%arg14 : memref<64xf32, #tpu.memory_space<vmem>>) target(%dma_start3A_297 : memref<64xf32, #tpu.memory_space<hbm>>) target_semaphore(%run_scoped3A_294 : memref<!tpu.dma_semaphore, #tpu.memory_space<semaphore_mem>>)
      %dma_wait3A = tpu.memref_slice %arg4[%select_n3A, %mul3A_163] : memref<1x2048xf32, #tpu.memory_space<hbm>> -> memref<1x64xf32, #tpu.memory_space<hbm>>
      %dma_wait3A_298 = tpu.memref_squeeze %dma_wait3A : memref<1x64xf32, #tpu.memory_space<hbm>> -> memref<64xf32, #tpu.memory_space<hbm>>
      %dma_wait3A_299 = tpu.memref_slice %arg4[%select_n3A, %mul3A_163] : memref<1x2048xf32, #tpu.memory_space<hbm>> -> memref<1x64xf32, #tpu.memory_space<hbm>>
      %dma_wait3A_300 = tpu.memref_squeeze %dma_wait3A_299 : memref<1x64xf32, #tpu.memory_space<hbm>> -> memref<64xf32, #tpu.memory_space<hbm>>
      tpu.wait_dma2 semaphore(%run_scoped3A_294 : memref<!tpu.dma_semaphore, #tpu.memory_space<semaphore_mem>>) src(%arg14 : memref<64xf32, #tpu.memory_space<vmem>>) dst(%dma_wait3A_300 : memref<64xf32, #tpu.memory_space<hbm>>)
      tpu.yield
    }) : () -> ()
    %mul3A_164 = arith.constant 64 : i32
    %mul3A_165 = arith.muli %select_n3A_30, %mul3A_164 : i32
    %add3A_166 = arith.constant 0 : i32
    %add3A_167 = arith.addi %mul3A_165, %add3A_166 : i32
    %add3A_168 = arith.constant 0 : i32
    %add3A_169 = arith.addi %add3A_167, %add3A_168 : i32
    %get3A_170 = arith.index_cast %add3A_169 : i32 to index
    %get3A_171 = tpu.vector_load %arg6[%get3A_170] {strides = array<i32>} : memref<2048xf32, #tpu.memory_space<vmem>>, vector<16xf32>,
    %mul3A_172 = arith.constant -2.000000e+00 : f32
    %mul3A_173 = vector.broadcast %mul3A_172 : f32 to vector<16xf32>
    %mul3A_174 = arith.mulf %get3A_171, %mul3A_173 : vector<16xf32>
    %add3A_175 = arith.constant 16 : i32
    %add3A_176 = arith.addi %add3A_167, %add3A_175 : i32
    %get3A_177 = arith.index_cast %add3A_176 : i32 to index
    %get3A_178 = tpu.vector_load %arg6[%get3A_177] {strides = array<i32>} : memref<2048xf32, #tpu.memory_space<vmem>>, vector<16xf32>,
    %mul3A_179 = arith.constant -2.000000e+00 : f32
    %mul3A_180 = vector.broadcast %mul3A_179 : f32 to vector<16xf32>
    %mul3A_181 = arith.mulf %get3A_178, %mul3A_180 : vector<16xf32>
    %add3A_182 = arith.constant 32 : i32
    %add3A_183 = arith.addi %add3A_167, %add3A_182 : i32
    %get3A_184 = arith.index_cast %add3A_183 : i32 to index
    %get3A_185 = tpu.vector_load %arg6[%get3A_184] {strides = array<i32>} : memref<2048xf32, #tpu.memory_space<vmem>>, vector<16xf32>,
    %mul3A_186 = arith.constant -2.000000e+00 : f32
    %mul3A_187 = vector.broadcast %mul3A_186 : f32 to vector<16xf32>
    %mul3A_188 = arith.mulf %get3A_185, %mul3A_187 : vector<16xf32>
    %add3A_189 = arith.constant 48 : i32
    %add3A_190 = arith.addi %add3A_167, %add3A_189 : i32
    %get3A_191 = arith.index_cast %add3A_190 : i32 to index
    %get3A_192 = tpu.vector_load %arg6[%get3A_191] {strides = array<i32>} : memref<2048xf32, #tpu.memory_space<vmem>>, vector<16xf32>,
    %mul3A_193 = arith.constant -2.000000e+00 : f32
    %mul3A_194 = vector.broadcast %mul3A_193 : f32 to vector<16xf32>
    %mul3A_195 = arith.mulf %get3A_192, %mul3A_194 : vector<16xf32>
    %add3A_196 = arith.constant 0 : i32
    %add3A_197 = arith.addi %add3A_167, %add3A_196 : i32
    %get3A_198 = arith.index_cast %add3A_197 : i32 to index
    %get3A_199 = tpu.vector_load %arg7[%get3A_198] {strides = array<i32>} : memref<2048xf32, #tpu.memory_space<vmem>>, vector<16xf32>,
    %mul3A_200 = arith.constant -2.000000e+00 : f32
    %mul3A_201 = vector.broadcast %mul3A_200 : f32 to vector<16xf32>
    %mul3A_202 = arith.mulf %get3A_199, %mul3A_201 : vector<16xf32>
    %add3A_203 = arith.constant 16 : i32
    %add3A_204 = arith.addi %add3A_167, %add3A_203 : i32
    %get3A_205 = arith.index_cast %add3A_204 : i32 to index
    %get3A_206 = tpu.vector_load %arg7[%get3A_205] {strides = array<i32>} : memref<2048xf32, #tpu.memory_space<vmem>>, vector<16xf32>,
    %mul3A_207 = arith.constant -2.000000e+00 : f32
    %mul3A_208 = vector.broadcast %mul3A_207 : f32 to vector<16xf32>
    %mul3A_209 = arith.mulf %get3A_206, %mul3A_208 : vector<16xf32>
    %add3A_210 = arith.constant 32 : i32
    %add3A_211 = arith.addi %add3A_167, %add3A_210 : i32
    %get3A_212 = arith.index_cast %add3A_211 : i32 to index
    %get3A_213 = tpu.vector_load %arg7[%get3A_212] {strides = array<i32>} : memref<2048xf32, #tpu.memory_space<vmem>>, vector<16xf32>,
    %mul3A_214 = arith.constant -2.000000e+00 : f32
    %mul3A_215 = vector.broadcast %mul3A_214 : f32 to vector<16xf32>
    %mul3A_216 = arith.mulf %get3A_213, %mul3A_215 : vector<16xf32>
    %add3A_217 = arith.constant 48 : i32
    %add3A_218 = arith.addi %add3A_167, %add3A_217 : i32
    %get3A_219 = arith.index_cast %add3A_218 : i32 to index
    %get3A_220 = tpu.vector_load %arg7[%get3A_219] {strides = array<i32>} : memref<2048xf32, #tpu.memory_space<vmem>>, vector<16xf32>,
    %mul3A_221 = arith.constant -2.000000e+00 : f32
    %mul3A_222 = vector.broadcast %mul3A_221 : f32 to vector<16xf32>
    %mul3A_223 = arith.mulf %get3A_220, %mul3A_222 : vector<16xf32>
    %add3A_224 = arith.constant 0 : i32
    %add3A_225 = arith.addi %add3A_167, %add3A_224 : i32
    %get3A_226 = arith.index_cast %add3A_225 : i32 to index
    %get3A_227 = tpu.vector_load %arg8[%get3A_226] {strides = array<i32>} : memref<2048xf32, #tpu.memory_space<vmem>>, vector<16xf32>,
    %mul3A_228 = arith.constant -2.000000e+00 : f32
    %mul3A_229 = vector.broadcast %mul3A_228 : f32 to vector<16xf32>
    %mul3A_230 = arith.mulf %get3A_227, %mul3A_229 : vector<16xf32>
    %add3A_231 = arith.constant 16 : i32
    %add3A_232 = arith.addi %add3A_167, %add3A_231 : i32
    %get3A_233 = arith.index_cast %add3A_232 : i32 to index
    %get3A_234 = tpu.vector_load %arg8[%get3A_233] {strides = array<i32>} : memref<2048xf32, #tpu.memory_space<vmem>>, vector<16xf32>,
    %mul3A_235 = arith.constant -2.000000e+00 : f32
    %mul3A_236 = vector.broadcast %mul3A_235 : f32 to vector<16xf32>
    %mul3A_237 = arith.mulf %get3A_234, %mul3A_236 : vector<16xf32>
    %add3A_238 = arith.constant 32 : i32
    %add3A_239 = arith.addi %add3A_167, %add3A_238 : i32
    %get3A_240 = arith.index_cast %add3A_239 : i32 to index
    %get3A_241 = tpu.vector_load %arg8[%get3A_240] {strides = array<i32>} : memref<2048xf32, #tpu.memory_space<vmem>>, vector<16xf32>,
    %mul3A_242 = arith.constant -2.000000e+00 : f32
    %mul3A_243 = vector.broadcast %mul3A_242 : f32 to vector<16xf32>
    %mul3A_244 = arith.mulf %get3A_241, %mul3A_243 : vector<16xf32>
    %add3A_245 = arith.constant 48 : i32
    %add3A_246 = arith.addi %add3A_167, %add3A_245 : i32
    %get3A_247 = arith.index_cast %add3A_246 : i32 to index
    %get3A_248 = tpu.vector_load %arg8[%get3A_247] {strides = array<i32>} : memref<2048xf32, #tpu.memory_space<vmem>>, vector<16xf32>,
    %mul3A_249 = arith.constant -2.000000e+00 : f32
    %mul3A_250 = vector.broadcast %mul3A_249 : f32 to vector<16xf32>
    %mul3A_251 = arith.mulf %get3A_248, %mul3A_250 : vector<16xf32>
    %broadcast_in_dim3A_252 = arith.constant 0x7F800000 : f32
    %broadcast_in_dim3A_253 = vector.broadcast %broadcast_in_dim3A_252 : f32 to vector<16xf32>
    %broadcast_in_dim3A_254 = arith.constant 0x7F800000 : f32
    %broadcast_in_dim3A_255 = vector.broadcast %broadcast_in_dim3A_254 : f32 to vector<16xf32>
    %broadcast_in_dim3A_256 = arith.constant 0x7F800000 : f32
    %broadcast_in_dim3A_257 = vector.broadcast %broadcast_in_dim3A_256 : f32 to vector<16xf32>
    %broadcast_in_dim3A_258 = arith.constant 0x7F800000 : f32
    %broadcast_in_dim3A_259 = vector.broadcast %broadcast_in_dim3A_258 : f32 to vector<16xf32>
    %parallel_loop3A_260 = arith.constant 0 : i32
    %parallel_loop3A_261 = arith.constant 2048 : i32
    %parallel_loop3A_262 = arith.constant 1 : i32
    %parallel_loop3A_263:4 = scf.for %parallel_loop3A_294 = %parallel_loop3A_260 to %parallel_loop3A_261 step %parallel_loop3A_262 iter_args(%parallel_loop3A_295 = %broadcast_in_dim3A_253, %parallel_loop3A_296 = %broadcast_in_dim3A_255, %parallel_loop3A_297 = %broadcast_in_dim3A_257, %parallel_loop3A_298 = %broadcast_in_dim3A_259) -> (vector<16xf32>, vector<16xf32>, vector<16xf32>, vector<16xf32>)  : i32 {
      %parallel_loop3A_299 = vector.broadcast %parallel_loop3A_294 : i32 to vector<16xi32>
      %parallel_loop3A_300 = tpu.vector_load_idx %arg10[%parallel_loop3A_299] : memref<2048xf32, #tpu.memory_space<vmem>>[vector<16xi32>], vector<16xf32>,
      %parallel_loop3A_301 = tpu.vector_load_idx %arg11[%parallel_loop3A_299] : memref<2048xf32, #tpu.memory_space<vmem>>[vector<16xi32>], vector<16xf32>,
      %parallel_loop3A_302 = tpu.vector_load_idx %arg12[%parallel_loop3A_299] : memref<2048xf32, #tpu.memory_space<vmem>>[vector<16xi32>], vector<16xf32>,
      %parallel_loop3A_303 = tpu.vector_load_idx %arg13[%parallel_loop3A_299] : memref<2048xf32, #tpu.memory_space<vmem>>[vector<16xi32>], vector<16xf32>,
      %parallel_loop3A_304 = arith.mulf %parallel_loop3A_300, %mul3A_174 : vector<16xf32>
      %parallel_loop3A_305 = arith.mulf %parallel_loop3A_301, %mul3A_202 : vector<16xf32>
      %parallel_loop3A_306 = arith.addf %parallel_loop3A_304, %parallel_loop3A_305 : vector<16xf32>
      %parallel_loop3A_307 = arith.mulf %parallel_loop3A_302, %mul3A_230 : vector<16xf32>
      %parallel_loop3A_308 = arith.addf %parallel_loop3A_306, %parallel_loop3A_307 : vector<16xf32>
      %parallel_loop3A_309 = arith.addf %parallel_loop3A_308, %parallel_loop3A_303 : vector<16xf32>
      %parallel_loop3A_310 = arith.minimumf %parallel_loop3A_295, %parallel_loop3A_309 : vector<16xf32>
      %parallel_loop3A_311 = arith.mulf %parallel_loop3A_300, %mul3A_181 : vector<16xf32>
      %parallel_loop3A_312 = arith.mulf %parallel_loop3A_301, %mul3A_209 : vector<16xf32>
      %parallel_loop3A_313 = arith.addf %parallel_loop3A_311, %parallel_loop3A_312 : vector<16xf32>
      %parallel_loop3A_314 = arith.mulf %parallel_loop3A_302, %mul3A_237 : vector<16xf32>
      %parallel_loop3A_315 = arith.addf %parallel_loop3A_313, %parallel_loop3A_314 : vector<16xf32>
      %parallel_loop3A_316 = arith.addf %parallel_loop3A_315, %parallel_loop3A_303 : vector<16xf32>
      %parallel_loop3A_317 = arith.minimumf %parallel_loop3A_296, %parallel_loop3A_316 : vector<16xf32>
      %parallel_loop3A_318 = arith.mulf %parallel_loop3A_300, %mul3A_188 : vector<16xf32>
      %parallel_loop3A_319 = arith.mulf %parallel_loop3A_301, %mul3A_216 : vector<16xf32>
      %parallel_loop3A_320 = arith.addf %parallel_loop3A_318, %parallel_loop3A_319 : vector<16xf32>
      %parallel_loop3A_321 = arith.mulf %parallel_loop3A_302, %mul3A_244 : vector<16xf32>
      %parallel_loop3A_322 = arith.addf %parallel_loop3A_320, %parallel_loop3A_321 : vector<16xf32>
      %parallel_loop3A_323 = arith.addf %parallel_loop3A_322, %parallel_loop3A_303 : vector<16xf32>
      %parallel_loop3A_324 = arith.minimumf %parallel_loop3A_297, %parallel_loop3A_323 : vector<16xf32>
      %parallel_loop3A_325 = arith.mulf %parallel_loop3A_300, %mul3A_195 : vector<16xf32>
      %parallel_loop3A_326 = arith.mulf %parallel_loop3A_301, %mul3A_223 : vector<16xf32>
      %parallel_loop3A_327 = arith.addf %parallel_loop3A_325, %parallel_loop3A_326 : vector<16xf32>
      %parallel_loop3A_328 = arith.mulf %parallel_loop3A_302, %mul3A_251 : vector<16xf32>
      %parallel_loop3A_329 = arith.addf %parallel_loop3A_327, %parallel_loop3A_328 : vector<16xf32>
      %parallel_loop3A_330 = arith.addf %parallel_loop3A_329, %parallel_loop3A_303 : vector<16xf32>
      %parallel_loop3A_331 = arith.minimumf %parallel_loop3A_298, %parallel_loop3A_330 : vector<16xf32>
      scf.yield %parallel_loop3A_310, %parallel_loop3A_317, %parallel_loop3A_324, %parallel_loop3A_331 : vector<16xf32>, vector<16xf32>, vector<16xf32>, vector<16xf32>
    } {sc.loop_unroll_factor = 2 : i64, sc.parallel_access}
    %add3A_264 = arith.constant 0 : i32
    %add3A_265 = arith.addi %add3A_167, %add3A_264 : i32
    %get3A_266 = arith.index_cast %add3A_265 : i32 to index
    %get3A_267 = tpu.vector_load %arg9[%get3A_266] {strides = array<i32>} : memref<2048xf32, #tpu.memory_space<vmem>>, vector<16xf32>,
    %add3A_268 = arith.addf %parallel_loop3A_263#0, %get3A_267 : vector<16xf32>
    %swap3A_269 = arith.constant 0 : index
    %swap3A_270 = tpu.vector_load %arg15[%swap3A_269] {strides = array<i32>} : memref<64xf32, #tpu.memory_space<vmem>>, vector<16xf32>,
    tpu.vector_store %arg15[%swap3A_269], %add3A_268 {strides = array<i32>} : memref<64xf32, #tpu.memory_space<vmem>>, vector<16xf32>,
    %add3A_271 = arith.constant 16 : i32
    %add3A_272 = arith.addi %add3A_167, %add3A_271 : i32
    %get3A_273 = arith.index_cast %add3A_272 : i32 to index
    %get3A_274 = tpu.vector_load %arg9[%get3A_273] {strides = array<i32>} : memref<2048xf32, #tpu.memory_space<vmem>>, vector<16xf32>,
    %add3A_275 = arith.addf %parallel_loop3A_263#1, %get3A_274 : vector<16xf32>
    %swap3A_276 = arith.constant 16 : index
    %swap3A_277 = tpu.vector_load %arg15[%swap3A_276] {strides = array<i32>} : memref<64xf32, #tpu.memory_space<vmem>>, vector<16xf32>,
    tpu.vector_store %arg15[%swap3A_276], %add3A_275 {strides = array<i32>} : memref<64xf32, #tpu.memory_space<vmem>>, vector<16xf32>,
    %add3A_278 = arith.constant 32 : i32
    %add3A_279 = arith.addi %add3A_167, %add3A_278 : i32
    %get3A_280 = arith.index_cast %add3A_279 : i32 to index
    %get3A_281 = tpu.vector_load %arg9[%get3A_280] {strides = array<i32>} : memref<2048xf32, #tpu.memory_space<vmem>>, vector<16xf32>,
    %add3A_282 = arith.addf %parallel_loop3A_263#2, %get3A_281 : vector<16xf32>
    %swap3A_283 = arith.constant 32 : index
    %swap3A_284 = tpu.vector_load %arg15[%swap3A_283] {strides = array<i32>} : memref<64xf32, #tpu.memory_space<vmem>>, vector<16xf32>,
    tpu.vector_store %arg15[%swap3A_283], %add3A_282 {strides = array<i32>} : memref<64xf32, #tpu.memory_space<vmem>>, vector<16xf32>,
    %add3A_285 = arith.constant 48 : i32
    %add3A_286 = arith.addi %add3A_167, %add3A_285 : i32
    %get3A_287 = arith.index_cast %add3A_286 : i32 to index
    %get3A_288 = tpu.vector_load %arg9[%get3A_287] {strides = array<i32>} : memref<2048xf32, #tpu.memory_space<vmem>>, vector<16xf32>,
    %add3A_289 = arith.addf %parallel_loop3A_263#3, %get3A_288 : vector<16xf32>
    %swap3A_290 = arith.constant 48 : index
    %swap3A_291 = tpu.vector_load %arg15[%swap3A_290] {strides = array<i32>} : memref<64xf32, #tpu.memory_space<vmem>>, vector<16xf32>,
    tpu.vector_store %arg15[%swap3A_290], %add3A_289 {strides = array<i32>} : memref<64xf32, #tpu.memory_space<vmem>>, vector<16xf32>,
    %mul3A_292 = arith.constant 64 : i32
    %mul3A_293 = arith.muli %select_n3A_30, %mul3A_292 : i32
    "tpu.region"() ({
      %run_scoped3A_294 = tpu.sem_alloc : memref<!tpu.dma_semaphore, #tpu.memory_space<semaphore_mem>>
      %dma_start3A = tpu.memref_slice %arg5[%select_n3A, %mul3A_293] : memref<1x2048xf32, #tpu.memory_space<hbm>> -> memref<1x64xf32, #tpu.memory_space<hbm>>
      %dma_start3A_295 = tpu.memref_squeeze %dma_start3A : memref<1x64xf32, #tpu.memory_space<hbm>> -> memref<64xf32, #tpu.memory_space<hbm>>
      %dma_start3A_296 = tpu.memref_slice %arg5[%select_n3A, %mul3A_293] : memref<1x2048xf32, #tpu.memory_space<hbm>> -> memref<1x64xf32, #tpu.memory_space<hbm>>
      %dma_start3A_297 = tpu.memref_squeeze %dma_start3A_296 : memref<1x64xf32, #tpu.memory_space<hbm>> -> memref<64xf32, #tpu.memory_space<hbm>>
      tpu.enqueue_dma source(%arg15 : memref<64xf32, #tpu.memory_space<vmem>>) target(%dma_start3A_297 : memref<64xf32, #tpu.memory_space<hbm>>) target_semaphore(%run_scoped3A_294 : memref<!tpu.dma_semaphore, #tpu.memory_space<semaphore_mem>>)
      %dma_wait3A = tpu.memref_slice %arg5[%select_n3A, %mul3A_293] : memref<1x2048xf32, #tpu.memory_space<hbm>> -> memref<1x64xf32, #tpu.memory_space<hbm>>
      %dma_wait3A_298 = tpu.memref_squeeze %dma_wait3A : memref<1x64xf32, #tpu.memory_space<hbm>> -> memref<64xf32, #tpu.memory_space<hbm>>
      %dma_wait3A_299 = tpu.memref_slice %arg5[%select_n3A, %mul3A_293] : memref<1x2048xf32, #tpu.memory_space<hbm>> -> memref<1x64xf32, #tpu.memory_space<hbm>>
      %dma_wait3A_300 = tpu.memref_squeeze %dma_wait3A_299 : memref<1x64xf32, #tpu.memory_space<hbm>> -> memref<64xf32, #tpu.memory_space<hbm>>
      tpu.wait_dma2 semaphore(%run_scoped3A_294 : memref<!tpu.dma_semaphore, #tpu.memory_space<semaphore_mem>>) src(%arg15 : memref<64xf32, #tpu.memory_space<vmem>>) dst(%dma_wait3A_300 : memref<64xf32, #tpu.memory_space<hbm>>)
      tpu.yield
    }) : () -> ()
    return
  }
}

module attributes {stable_mosaic.version = 14 : i64} {
  func.func @_tc_body(%arg0: i32, %arg1: i32, %arg2: memref<1x3x2048xf32, #tpu.memory_space<vmem>>, %arg3: memref<1x3x2048xf32, #tpu.memory_space<vmem>>, %arg4: memref<1x1xf32, #tpu.memory_space<smem>>, %arg5: memref<1x2048xf32, #tpu.memory_space<vmem>>) attributes {dimension_semantics = [#tpu.dimension_semantics<arbitrary>, #tpu.dimension_semantics<arbitrary>], iteration_bounds = array<i64: 7, 1>, scalar_prefetch = 0 : i64, scratch_operands = 1 : i64, tpu.core_type = #tpu.core_type<tc>, window_params = [{transform_indices = @transform_0, window_bounds = array<i64: 1, 3, 2048>}, {transform_indices = @transform_1, window_bounds = array<i64: 1, 3, 2048>}, {transform_indices = @transform_2, window_bounds = array<i64: 1, 1>}]} {
    %get3A = arith.constant 0 : index
    %get3A_0 = arith.constant 0 : index
    %get3A_1 = arith.constant 0 : index
    %get3A_2 = vector.load %arg2[%get3A, %get3A_0, %get3A_1] : memref<1x3x2048xf32, #tpu.memory_space<vmem>>, vector<1x3x2048xf32>
    %get3A_3 = vector.shape_cast %get3A_2 : vector<1x3x2048xf32> to vector<3x2048xf32>
    %transpose3A = tpu.transpose %get3A_3, [1, 0] : vector<3x2048xf32> -> vector<2048x3xf32>
    %get3A_4 = arith.constant 0 : index
    %get3A_5 = arith.constant 0 : index
    %get3A_6 = arith.constant 0 : index
    %get3A_7 = vector.load %arg3[%get3A_4, %get3A_5, %get3A_6] : memref<1x3x2048xf32, #tpu.memory_space<vmem>>, vector<1x3x2048xf32>
    %get3A_8 = vector.shape_cast %get3A_7 : vector<1x3x2048xf32> to vector<3x2048xf32>
    %slice3A = vector.extract_strided_slice %transpose3A {offsets = [0, 0], sizes = [2048, 1], strides = [1, 1]} : vector<2048x3xf32> to vector<2048x1xf32>
    %slice3A_9 = vector.extract_strided_slice %get3A_8 {offsets = [0, 0], sizes = [1, 2048], strides = [1, 1]} : vector<3x2048xf32> to vector<1x2048xf32>
    %sub3A = vector.broadcast %slice3A : vector<2048x1xf32> to vector<2048x2048xf32>
    %sub3A_10 = vector.broadcast %slice3A_9 : vector<1x2048xf32> to vector<2048x2048xf32>
    %sub3A_11 = arith.subf %sub3A, %sub3A_10 : vector<2048x2048xf32>
    %integer_pow3A = arith.mulf %sub3A_11, %sub3A_11 : vector<2048x2048xf32>
    %slice3A_12 = vector.extract_strided_slice %transpose3A {offsets = [0, 1], sizes = [2048, 1], strides = [1, 1]} : vector<2048x3xf32> to vector<2048x1xf32>
    %slice3A_13 = vector.extract_strided_slice %get3A_8 {offsets = [1, 0], sizes = [1, 2048], strides = [1, 1]} : vector<3x2048xf32> to vector<1x2048xf32>
    %sub3A_14 = vector.broadcast %slice3A_12 : vector<2048x1xf32> to vector<2048x2048xf32>
    %sub3A_15 = vector.broadcast %slice3A_13 : vector<1x2048xf32> to vector<2048x2048xf32>
    %sub3A_16 = arith.subf %sub3A_14, %sub3A_15 : vector<2048x2048xf32>
    %integer_pow3A_17 = arith.mulf %sub3A_16, %sub3A_16 : vector<2048x2048xf32>
    %add3A = arith.addf %integer_pow3A, %integer_pow3A_17 : vector<2048x2048xf32>
    %slice3A_18 = vector.extract_strided_slice %transpose3A {offsets = [0, 2], sizes = [2048, 1], strides = [1, 1]} : vector<2048x3xf32> to vector<2048x1xf32>
    %slice3A_19 = vector.extract_strided_slice %get3A_8 {offsets = [2, 0], sizes = [1, 2048], strides = [1, 1]} : vector<3x2048xf32> to vector<1x2048xf32>
    %sub3A_20 = vector.broadcast %slice3A_18 : vector<2048x1xf32> to vector<2048x2048xf32>
    %sub3A_21 = vector.broadcast %slice3A_19 : vector<1x2048xf32> to vector<2048x2048xf32>
    %sub3A_22 = arith.subf %sub3A_20, %sub3A_21 : vector<2048x2048xf32>
    %integer_pow3A_23 = arith.mulf %sub3A_22, %sub3A_22 : vector<2048x2048xf32>
    %add3A_24 = arith.addf %add3A, %integer_pow3A_23 : vector<2048x2048xf32>
    %reduce_min3A = arith.constant dense<0x7F800000> : vector<2048xf32>
    %reduce_min3A_25 = vector.multi_reduction <minimumf>, %add3A_24, %reduce_min3A [0] : vector<2048x2048xf32> to vector<2048xf32>
    %broadcast_in_dim3A = vector.shape_cast %reduce_min3A_25 : vector<2048xf32> to vector<1x2048xf32>
    %eq3A = arith.constant 0 : i32
    %eq3A_26 = arith.cmpi eq, %arg1, %eq3A : i32
    %get3A_27 = arith.constant 0 : index
    %get3A_28 = arith.constant 0 : index
    %get3A_29 = vector.load %arg5[%get3A_27, %get3A_28] : memref<1x2048xf32, #tpu.memory_space<vmem>>, vector<1x2048xf32>
    %min3A = arith.minimumf %get3A_29, %broadcast_in_dim3A : vector<1x2048xf32>
    %select_n3A = arith.select %eq3A_26, %broadcast_in_dim3A, %min3A : vector<1x2048xf32>
    %swap3A = arith.constant 0 : index
    %swap3A_30 = arith.constant 0 : index
    %swap3A_31 = vector.load %arg5[%swap3A, %swap3A_30] : memref<1x2048xf32, #tpu.memory_space<vmem>>, vector<1x2048xf32>
    tpu.vector_store %arg5[%swap3A, %swap3A_30], %select_n3A {strides = array<i32>} : memref<1x2048xf32, #tpu.memory_space<vmem>>, vector<1x2048xf32>,
    %reduce_min3A_32 = arith.constant dense<0x7F800000> : vector<2048xf32>
    %reduce_min3A_33 = vector.multi_reduction <minimumf>, %add3A_24, %reduce_min3A_32 [1] : vector<2048x2048xf32> to vector<2048xf32>
    %sqrt3A = math.sqrt %reduce_min3A_33 : vector<2048xf32>
    %reduce_sum3A = vector.shape_cast %sqrt3A : vector<2048xf32> to vector<1x2048xf32>
    %reduce_sum3A_34 = arith.constant dense<0.000000e+00> : vector<1xf32>
    %reduce_sum3A_35 = vector.multi_reduction <add>, %reduce_sum3A, %reduce_sum3A_34 [1] : vector<1x2048xf32> to vector<1xf32>
    %reduce_sum3A_36 = vector.shape_cast %reduce_sum3A_35 : vector<1xf32> to vector<1x1xf32>
    %reduce_sum3A_37 = vector.extract %reduce_sum3A_36[0, 0] : f32 from vector<1x1xf32>
    %eq3A_38 = arith.constant 0 : i32
    %eq3A_39 = arith.cmpi eq, %arg1, %eq3A_38 : i32
    %sqrt3A_40 = math.sqrt %select_n3A : vector<1x2048xf32>
    %reduce_sum3A_41 = vector.shape_cast %sqrt3A_40 : vector<1x2048xf32> to vector<1x1x2048xf32>
    %reduce_sum3A_42 = arith.constant dense<0.000000e+00> : vector<1xf32>
    %reduce_sum3A_43 = vector.multi_reduction <add>, %reduce_sum3A_41, %reduce_sum3A_42 [1, 2] : vector<1x1x2048xf32> to vector<1xf32>
    %reduce_sum3A_44 = vector.shape_cast %reduce_sum3A_43 : vector<1xf32> to vector<1x1x1xf32>
    %reduce_sum3A_45 = vector.extract %reduce_sum3A_44[0, 0, 0] : f32 from vector<1x1x1xf32>
    %jit3A = arith.constant 0.000000e+00 : f32
    %select_n3A_46 = arith.select %eq3A_39, %reduce_sum3A_45, %jit3A : f32
    %add3A_47 = arith.addf %reduce_sum3A_37, %select_n3A_46 : f32
    %eq3A_48 = arith.constant 0 : i32
    %eq3A_49 = arith.cmpi eq, %arg0, %eq3A_48 : i32
    %eq3A_50 = arith.constant 0 : i32
    %eq3A_51 = arith.cmpi eq, %arg1, %eq3A_50 : i32
    %and3A = arith.andi %eq3A_49, %eq3A_51 : i1
    %get3A_52 = arith.constant 0 : index
    %get3A_53 = arith.constant 0 : index
    %get3A_54 = memref.load %arg4[%get3A_52, %get3A_53] : memref<1x1xf32, #tpu.memory_space<smem>>
    %jit3A_55 = arith.constant 0.000000e+00 : f32
    %select_n3A_56 = arith.select %and3A, %jit3A_55, %get3A_54 : f32
    %add3A_57 = arith.addf %select_n3A_56, %add3A_47 : f32
    %swap3A_58 = arith.constant 0 : index
    %swap3A_59 = arith.constant 0 : index
    %swap3A_60 = memref.load %arg4[%swap3A_58, %swap3A_59] : memref<1x1xf32, #tpu.memory_space<smem>>
    memref.store %add3A_57, %arg4[%swap3A_58, %swap3A_59] : memref<1x1xf32, #tpu.memory_space<smem>>
    return
  }
  func.func @transform_0(%arg0: i32, %arg1: i32) -> (i32, i32, i32) {
    %add3A = arith.constant 1 : i32
    %add3A_0 = arith.addi %arg0, %add3A : i32
    %c0_i32 = arith.constant 0 : i32
    %c0_i32_1 = arith.constant 0 : i32
    return %add3A_0, %c0_i32, %arg1 : i32, i32, i32
  }
  func.func @transform_1(%arg0: i32, %arg1: i32) -> (i32, i32, i32) {
    %add3A = arith.constant 1 : i32
    %add3A_0 = arith.addi %arg0, %add3A : i32
    %c0_i32 = arith.constant 0 : i32
    %c0_i32_1 = arith.constant 0 : i32
    %c0_i32_2 = arith.constant 0 : i32
    return %add3A_0, %c0_i32, %c0_i32_1 : i32, i32, i32
  }
  func.func @transform_2(%arg0: i32, %arg1: i32) -> (i32, i32) {
    %c0_i32 = arith.constant 0 : i32
    %c0_i32_0 = arith.constant 0 : i32
    %c0_i32_1 = arith.constant 0 : i32
    return %c0_i32, %c0_i32_0 : i32, i32
  }
}

module attributes {stable_mosaic.version = 14 : i64} {
  func.func @_finish_body(%arg0: memref<1x2048xf32, #tpu.memory_space<vmem>>, %arg1: memref<1x2048xf32, #tpu.memory_space<vmem>>, %arg2: memref<1x1xf32, #tpu.memory_space<smem>>, %arg3: memref<1x1xf32, #tpu.memory_space<smem>>) attributes {dimension_semantics = [], scalar_prefetch = 0 : i64, scratch_operands = 0 : i64, tpu.core_type = #tpu.core_type<tc>} {
    %get3A = arith.constant 0 : index
    %get3A_0 = arith.constant 0 : index
    %get3A_1 = vector.load %arg0[%get3A, %get3A_0] : memref<1x2048xf32, #tpu.memory_space<vmem>>, vector<1x2048xf32>
    %max3A = arith.constant 0.000000e+00 : f32
    %max3A_2 = vector.broadcast %max3A : f32 to vector<1x2048xf32>
    %max3A_3 = arith.maximumf %get3A_1, %max3A_2 : vector<1x2048xf32>
    %sqrt3A = math.sqrt %max3A_3 : vector<1x2048xf32>
    %reduce_sum3A = vector.shape_cast %sqrt3A : vector<1x2048xf32> to vector<1x1x2048xf32>
    %reduce_sum3A_4 = arith.constant dense<0.000000e+00> : vector<1xf32>
    %reduce_sum3A_5 = vector.multi_reduction <add>, %reduce_sum3A, %reduce_sum3A_4 [1, 2] : vector<1x1x2048xf32> to vector<1xf32>
    %reduce_sum3A_6 = vector.shape_cast %reduce_sum3A_5 : vector<1xf32> to vector<1x1x1xf32>
    %reduce_sum3A_7 = vector.extract %reduce_sum3A_6[0, 0, 0] : f32 from vector<1x1x1xf32>
    %get3A_8 = arith.constant 0 : index
    %get3A_9 = arith.constant 0 : index
    %get3A_10 = vector.load %arg1[%get3A_8, %get3A_9] : memref<1x2048xf32, #tpu.memory_space<vmem>>, vector<1x2048xf32>
    %max3A_11 = arith.constant 0.000000e+00 : f32
    %max3A_12 = vector.broadcast %max3A_11 : f32 to vector<1x2048xf32>
    %max3A_13 = arith.maximumf %get3A_10, %max3A_12 : vector<1x2048xf32>
    %sqrt3A_14 = math.sqrt %max3A_13 : vector<1x2048xf32>
    %reduce_sum3A_15 = vector.shape_cast %sqrt3A_14 : vector<1x2048xf32> to vector<1x1x2048xf32>
    %reduce_sum3A_16 = arith.constant dense<0.000000e+00> : vector<1xf32>
    %reduce_sum3A_17 = vector.multi_reduction <add>, %reduce_sum3A_15, %reduce_sum3A_16 [1, 2] : vector<1x1x2048xf32> to vector<1xf32>
    %reduce_sum3A_18 = vector.shape_cast %reduce_sum3A_17 : vector<1xf32> to vector<1x1x1xf32>
    %reduce_sum3A_19 = vector.extract %reduce_sum3A_18[0, 0, 0] : f32 from vector<1x1x1xf32>
    %add3A = arith.addf %reduce_sum3A_7, %reduce_sum3A_19 : f32
    %get3A_20 = arith.constant 0 : index
    %get3A_21 = arith.constant 0 : index
    %get3A_22 = memref.load %arg2[%get3A_20, %get3A_21] : memref<1x1xf32, #tpu.memory_space<smem>>
    %add3A_23 = arith.addf %add3A, %get3A_22 : f32
    %mul3A = arith.constant 6.10351563E-5 : f32
    %mul3A_24 = arith.mulf %add3A_23, %mul3A : f32
    %swap3A = arith.constant 0 : index
    %swap3A_25 = arith.constant 0 : index
    %swap3A_26 = memref.load %arg3[%swap3A, %swap3A_25] : memref<1x1xf32, #tpu.memory_space<smem>>
    memref.store %mul3A_24, %arg3[%swap3A, %swap3A_25] : memref<1x1xf32, #tpu.memory_space<smem>>
    return
  }
}

</mosaic_0001>

<sc_bundles>
// kernel: kernel.5.cloned.1.call-start
scs
__scs_entry_jumppad:
0x0: {  	(pc) =	sbr.rel $0x88, $3  }
0x1: {  	(tag) =	ssettag $0x0;
	lr =	simm.s32 $0x1  }
0x2: {  	[smem:$0x3F9F] =	sst lr;
	_ =	strace $0xD0000000  }
0x3: {  	_ = 	snop  }
0x4: {  	_ = 	snop  }
0x5: {  	_ = 	snop  }
0x6: {  	_ = 	snop  }
0x7: {  	_ = 	snop  }
__scs_overlays_trampoline_lowered:
0x8: {  	[smem:$0x3FAE] =	sst s0  }
0x9: {  	[smem:$0x3FAF] =	sst s1  }
0xa: {  	[smem:$0x3FB0] =	sst s2  }
0xb: {  	[smem:$0x3FB1] =	sst s3  }
0xc: {  	[smem:$0x3FB2] =	sst s4  }
0xd: {  	[smem:$0x3FB3] =	sst s5  }
0xe: {  	[smem:$0x3FB4] =	sst s6  }
0xf: {  	[smem:$0x3FB5] =	sst s7  }
0x10: {  	[smem:$0x3FB6] =	sst s8  }
0x11: {  	[smem:$0x3FB7] =	sst s9;
	s0 =	simm.s32 @!p0 $0x0  }
0x12: {  	s1 =	sld [smem:$0x3F9D];
	s0 =	simm.s32 @p0 $0x1  }
0x13: {  	[smem:$0x3FB8] =	sst s0;
	s0 =	simm.s32 @!p1 $0x0  }
0x14: {  	s2 =	sld [smem:$0x3F9C];
	s0 =	simm.s32 @p1 $0x1  }
0x15: {  	[smem:$0x3FB9] =	sst s0;
	s0 =	simm.s32 @!p2 $0x0  }
0x16: {  	s3 =	sld [smem:$0x3FDB];
	s0 =	simm.s32 @p2 $0x1  }
0x17: {  	s4 =	simm.s32 $0x1BF5;
	[smem:$0x3FBB] =	sst s0  }
0x18: {  	s0 =	sld [smem:$0x3F9E];
	_ =	swait.ge [sflag:s4], $0x0  }
0x19: {  	s7 =	sld [smem:$0x3F9F]  }
0x1a: {  	s8 =	sadd.s32 $0xFFFFE003, lr  }
0x1b: {  	s9 =	sadd.s32 $0xFFFFFEF7, lr;
	s5 =	simm.s32 $0xFFFFFFFF;
	p2 =	slt.u32 s8, $0xFFFFF086  }
0x1c: {  	p1 =	slt.u32 s9, $0xF7A;
	s5 =	simm.s32 @!p2 $0x0  }
0x1d: {  	s5 =	simm.s32 @p1 $0x1;
	p0 =	seq.s32 s7, s2  }
0x1e: {  	s7 =	smul.u32 @!p0 $0xF7A, s2;
	p2 =	seq.s32 @!p0 s5, $0x0  }
0x1f: {  	s9 =	smul.u32 $0xF7A, s1;
	s8 =	simm.s32 @!p0 $0x1BF5;
	p2 =	por !p2, p0  }
0x20: {  	[sflag:s8] =	ssyncset.s32 @!p0 $0xFFFFF086;
	s6 =	sadd.s32 @!p0 s3, s7;
	s7 =	simm.s32 @!p0 $0x108  }
0x21: {  	s3 =	sadd.s32 s3, s9;
	s6 =	sadd.s32 @!p0 $0x88, s6;
	s7 =	simm.s32 @p2 $0x1082  }
0x22: {  	[simem:s7], [sflag:s8] =	dma.local @!p0 [hbm:s6], $0xF7A  }
0x23: {  	s9 =	sor.u32 $0xD0000000, s2;
	s6 =	simm.s32 $0x108;
	_ =	swait.ge @!p0 [sflag:s8], $0x0  }
0x24: {  	s3 =	sadd.s32 $0x88, s3;
	s6 =	simm.s32 @!p1 $0x1082;
	[sflag:s4] =	ssyncset.s32 $0xFFFFF086  }
0x25: {  	[simem:s6], [sflag:s4] =	dma.local [hbm:s3], $0xF7A  }
0x26: {  	[smem:$0x3F9F] =	sst s1;
	(tag) =	ssettag s2;
	_ =	strace s9  }
0x27: {  	s1 =	sld [smem:$0x3FAF]  }
0x28: {  	s2 =	sld [smem:$0x3FB0]  }
0x29: {  	s4 =	sld [smem:$0x3FB2]  }
0x2a: {  	p0 =	seq.s32 s5, $0x0;
	s5 =	sld [smem:$0x3FB3]  }
0x2b: {  	s6 =	sld [smem:$0x3FB4]  }
0x2c: {  	s7 =	sld [smem:$0x3FB5]  }
0x2d: {  	s3 =	simm.s32 $0x108;
	s8 =	sld [smem:$0x3FB6]  }
0x2e: {  	s3 =	simm.s32 @!p0 $0x1082;
	s9 =	sld [smem:$0x3FB7]  }
0x2f: {  	lr =	sadd.s32 s0, s3;
	s0 =	sld [smem:$0x3FAE]  }
0x30: {  	s3 =	sld [smem:$0x3FB1]  }
0x31: {  	[smem:$0x3FBA] =	sst s10  }
0x32: {  	s10 =	sld [smem:$0x3FB8];
	_ =	sdelay $0x3  }
0x33: {  	p0 =	seq.s32 s10, $0x1;
	s10 =	sld [smem:$0x3FBA];
	_ =	sdelay $0x3  }
0x34: {  	[smem:$0x3FBA] =	sst s10  }
0x35: {  	s10 =	sld [smem:$0x3FB9];
	_ =	sdelay $0x3  }
0x36: {  	p1 =	seq.s32 s10, $0x1;
	s10 =	sld [smem:$0x3FBA];
	_ =	sdelay $0x3  }
0x37: {  	[smem:$0x3FBA] =	sst s10  }
0x38: {  	s10 =	sld [smem:$0x3FBB]  }
0x39: {  	_ = 	snop;
	(pc) =	sbr.ind lr, $3  }
0x3a: {  	_ = 	snop  }
0x3b: {  	_ = 	snop  }
0x3c: {  	p2 =	seq.s32 s10, $0x1;
	s10 =	sld [smem:$0x3FBA]  }
0x3d: {  	_ =	shalt  }
0x3e: {  	_ =	shalt  }
0x3f: {  	_ =	shalt  }
0x40: {  	_ =	shalt  }
0x41: {  	_ =	shalt  }
0x42: {  	_ =	shalt  }
0x43: {  	_ =	shalt  }
0x44: {  	_ =	shalt  }
0x45: {  	_ =	shalt  }
0x46: {  	_ =	shalt  }
0x47: {  	_ =	shalt  }
0x48: {  	_ =	shalt  }
0x49: {  	_ =	shalt  }
0x4a: {  	_ =	shalt  }
0x4b: {  	_ =	shalt  }
0x4c: {  	_ =	shalt  }
0x4d: {  	_ =	shalt  }
0x4e: {  	_ =	shalt  }
0x4f: {  	_ =	shalt  }
0x50: {  	_ =	shalt  }
0x51: {  	_ =	shalt  }
0x52: {  	_ =	shalt  }
0x53: {  	_ =	shalt  }
0x54: {  	_ =	shalt  }
0x55: {  	_ =	shalt  }
0x56: {  	_ =	shalt  }
0x57: {  	_ =	shalt  }
0x58: {  	_ =	shalt  }
0x59: {  	_ =	shalt  }
0x5a: {  	_ =	shalt  }
0x5b: {  	_ =	shalt  }
0x5c: {  	_ =	shalt  }
0x5d: {  	_ =	shalt  }
0x5e: {  	_ =	shalt  }
0x5f: {  	_ =	shalt  }
0x60: {  	_ =	shalt  }
0x61: {  	_ =	shalt  }
0x62: {  	_ =	shalt  }
0x63: {  	_ =	shalt  }
0x64: {  	_ =	shalt  }
0x65: {  	_ =	shalt  }
0x66: {  	_ =	shalt  }
0x67: {  	_ =	shalt  }
0x68: {  	_ =	shalt  }
0x69: {  	_ =	shalt  }
0x6a: {  	_ =	shalt  }
0x6b: {  	_ =	shalt  }
0x6c: {  	_ =	shalt  }
0x6d: {  	_ =	shalt  }
0x6e: {  	_ =	shalt  }
0x6f: {  	_ =	shalt  }
0x70: {  	_ =	shalt  }
0x71: {  	_ =	shalt  }
0x72: {  	_ =	shalt  }
0x73: {  	_ =	shalt  }
0x74: {  	_ =	shalt  }
0x75: {  	_ =	shalt  }
0x76: {  	_ =	shalt  }
0x77: {  	_ =	shalt  }
0x78: {  	_ =	shalt  }
0x79: {  	_ =	shalt  }
0x7a: {  	_ =	shalt  }
0x7b: {  	_ =	shalt  }
0x7c: {  	_ =	shalt  }
0x7d: {  	_ =	shalt  }
0x7e: {  	_ =	shalt  }
0x7f: {  	_ =	shalt  }
0x80: {  	_ =	shalt  }
0x81: {  	_ =	shalt  }
0x82: {  	_ =	shalt  }
0x83: {  	_ =	shalt  }
0x84: {  	_ =	shalt  }
0x85: {  	_ =	shalt  }
0x86: {  	_ =	shalt  }
0x87: {  	_ =	shalt  }
.Lfunc_end0:
.L_simem_size_0:
called_computation_lowered:
.L_overlay_start_0:
0x88: {  	s2 =	sld [smem:$0x3FD9]  }
0x89: {  	s3 =	sld [smem:$0x3FFE];
	_ =	sdelay $0x1  }
0x8a: {  	s1 =	srdreg.scid  }
0x8b: {  	s0 =	sand.u32 $0x1, s1  }
0x8c: {  	s16 =	sshll.u32 s0, $0xA;
	s2 =	sadd.s32 s3, s2  }
0x8d: {  	s2 =	sadd.s32 s2, s16  }
0x8e: {  	[smem:$0x3FC6] =	sst s2  }
0x8f: {  	_ = 	snop  }
0x90: {  	(tm) =	ssettm $0x1  }
0x91: {  	s17 =	sld [smem:$0x3FFB];
	_ =	sdelay $0x3  }
0x92: {  	_ =	strace s17  }
0x93: {  	s2 =	sld [smem:$0x3FFC];
	_ =	sdelay $0x3  }
0x94: {  	_ =	strace s2  }
0x95: {  	s2 =	sld [smem:$0x3FFD];
	_ =	sdelay $0x3  }
0x96: {  	_ =	strace s2  }
0x97: {  	_ =	strace $0x8FFFFFFF  }
0x98: {  	s18 =	sld [smem:$0x3FDB];
	_ =	sdelay $0x1  }
0x99: {  	s19 =	simm.s32 $_scs_section_size  }
0x9a: {  	s4 =	simm.s32 $_size__tile_overlayer_lowered;
	s5 =	simm.s32 $_tile_overlayer_lowered  }
0x9b: {  	s22 =	simm.s32 $0x1BFF;
	s21 =	sshll.u32 s5, $0x1;
	s2 =	sadd.s32 s19, s18  }
0x9c: {  	s6 =	simm.s32 $0x0;
	s20 =	sshll.u32 s4, $0x1;
	s4 =	sadd.s32 s21, s2  }
0x9d: {  	[timem:s6], [sflag:s22] =	dma.local [hbm:s4], s20  }
0x9e: {  	_ =	swait.ge [sflag:s22], s20  }
0x9f: {  	s3 =	ssub.s32 $0x0, s20;
	[sflag:s22] =	ssyncset.done $0x0  }
0xa0: {  	[sflag:s22] =	ssyncadd.s32 s3;
	_ =	sdelay $0x1  }
0xa1: {  	s23 =	simm.s32 $0x1B8B  }
0xa2: {  	_ =	swait.ge [sflag:s23], $0x1  }
0xa3: {  	[sflag:s23] =	ssyncset.done $0x0  }
0xa4: {  	s25 =	simm.s32 $0x1B8E;
	s24 =	sld [smem:$0x3FFE];
	[sflag:s23] =	ssyncadd.s32 $0xFFFFFFFF  }
0xa5: {  	s26 =	simm.s32 $execute0_lowered;
	[smem:$0x3FD2] =	sst s25  }
0xa6: {  	s4 =	sshll.u32 s26, $0x1;
	_ =	strace $0x80000046;
	[dreg:$0x1] =	wrdreg $0xFFFFFFFF  }
0xa7: {  	s28 =	simm.s32 $_size_execute0_lowered;
	s2 =	sadd.s32 s2, s4;
	[dreg:$0x0] =	wrdreg $0x0  }
0xa8: {  	s4 =	sshll.u32 s28, $0x1;
	[dreg:$0x2] =	wrdreg s2  }
0xa9: {  	[dreg:$0x3] =	wrdreg s4  }
0xaa: {  	[dreg:$0x4] =	wrdreg $0xC0  }
0xab: {  	_ =	task [dreg:s6], $0x5FFFF  }
0xac: {  	[dreg:$0x1] =	wrdreg $0xFFFFFFFF  }
0xad: {  	[dreg:$0x0] =	wrdreg $0x60  }
0xae: {  	[dreg:$0x2] =	wrdreg s24  }
0xaf: {  	[dreg:$0x3] =	wrdreg $0x9  }
0xb0: {  	_ =	task.clear_ibuf [dreg:s6], $0x4FFFF;
	_ =	strace $0x90000046  }
0xb1: {  	s29 =	simm.s32 $0x9;
	_ =	strace $0x80000048  }
0xb2: {  	_ =	swait.ge [sflag:s29], $0x1  }
0xb3: {  	[sflag:s29] =	ssyncadd.s32 $0xFFFFFFFF  }
0xb4: {  	_ =	strace $0x90000048  }
0xb5: {  	_ =	sfence  }
0xb6: {  	s30 =	sld [smem:$0x0];
	_ =	sdelay $0x2  }
0xb7: {  	s31 =	sshll.u32 s1, $0xD;
	s1 =	sshrl.u32 s1, $0x2  }
0xb8: {  	s3 =	sand.u32 $0x4000, s31;
	s1 =	sadd.s32 s1, s30  }
0xb9: {  	s0 =	sor.u32 s3, s0;
	s1 =	sshll.u32 s1, $0x11  }
0xba: {  	s0 =	sor.u32 s1, s0  }
0xbb: {  	s0 =	sadd.s32 $0x8F2B, s0  }
0xbc: {  	[sflag:s0] =	ssyncadd.remote.s32 $0x1  }
0xbd: {  	_ =	sfence.sel $0xFFFF  }
0xbe: {  	[dreg:$0x0] =	wrdreg $0xFFFFFFFF;
	(pc) =	sbr.abs _section_cstart, $3  }
0xbf: {  	[dreg:$0x1] =	wrdreg $0xFFFFFFFF  }
0xc0: {  	_ =	task.clear_ibuf [dreg:s6], $0x2FFFF;
	_ =	strace $0x9FFFFFFF  }
0xc1: {  	(tm) =	ssettm $0x7FFFFFFF  }
tec
execute0_lowered:
.L_overlay_start_1:
0x0: {  	(tag) =	ssettag $0x1  }
0x1: {  	s0 =	rddreg [dreg:$0x0];
	s1 =	srdreg.scid  }
0x2: {  	s2 =	simm.s32 $0x0;
	s4 =	stileid.u32;
	s18 =	simm.s32 $0x80  }
0x3: {  	s19 =	simm.s32 $0x200;
	s20 =	simm.s32 $0x1;
	s21 =	simm.s32 $0x2000  }
0x4: {  	s22 =	simm.s32 $0x800;
	s23 =	simm.s32 $0x2800;
	s24 =	simm.s32 $0x1000  }
0x5: {  	s25 =	simm.s32 $0x3000;
	s26 =	simm.s32 $0x1800;
	s28 =	simm.s32 $0x3800  }
0x6: {  	s30 =	simm.s32 $0x4080;
	s31 =	simm.s32 $0x0;
	s1 =	sand.u32 $0x1, s1  }
0x7: {  	[smem:$0x7FF] =	sst s2;
	s6 =	sadd.s32 $0xE10, s0;
	s7 =	sadd.s32 $0xA20, s0  }
0x8: {  	s8 =	sadd.s32 $0xE20, s0;
	s10 =	sadd.s32 $0xA30, s0;
	s11 =	sadd.s32 $0xE30, s0  }
0x9: {  	s3 =	sshll.u32 s1, $0x4;
	_ =	strace $0x80000047;
	s1 =	ssub.s32 $0x2, s1  }
0xa: {  	s9 =	sor.u32 s4, s3;
	s3 =	sadd.s32 $0xA00, s0;
	s29 =	sshrl.u32 s1, $0x1  }
0xb: {  	s4 =	sadd.s32 $0xE00, s0;
	s5 =	sshll.u32 s9, $0x3;
	s1 =	ssub.s32 s1, s29  }
0xc: {  	s9 =	sshll.u32 s9, $0x6;
	s16 =	sadd.s32 s5, s0;
	s5 =	sadd.s32 $0xA10, s0  }
0xd: {  	s12 =	sor.u32 $0x10, s9;
	s13 =	sor.u32 $0x20, s9;
	s14 =	sor.u32 $0x30, s9  }
0xe: {  	s17 =	smax.u32 s1, $0x1;
	s15 =	sadd.s32 $0x1200, s16;
	s16 =	sadd.s32 $0x1400, s16  }
.LBB2_1:
0xf: {  	[tilespmem:s2], [sflag:$0x1] =	stream.strided.gather [hbm4b:s3+s18], $0x800, s19, s18, $0x38;
	[tilespmem:$0x4100] =	vst v63  }
0x10: {  	_ =	swait.ge [sflag:s20], $0x800  }
0x11: {  	[sflag:s20] =	ssyncset.done $0x0  }
0x12: {  	[sflag:s20] =	ssyncadd.s32 $0xFFFFF800  }
0x13: {  	[tilespmem:s21], [sflag:$0x1] =	stream.strided.gather [hbm4b:s4+s18], $0x800, s19, s18, $0x38;
	[tilespmem:$0x4100] =	vst v63  }
0x14: {  	_ =	swait.ge [sflag:s20], $0x800  }
0x15: {  	[sflag:s20] =	ssyncset.done $0x0  }
0x16: {  	[sflag:s20] =	ssyncadd.s32 $0xFFFFF800  }
0x17: {  	[tilespmem:s22], [sflag:$0x1] =	stream.strided.gather [hbm4b:s5+s18], $0x800, s19, s18, $0x38;
	[tilespmem:$0x4100] =	vst v63  }
0x18: {  	_ =	swait.ge [sflag:s20], $0x800  }
0x19: {  	[sflag:s20] =	ssyncset.done $0x0  }
0x1a: {  	[sflag:s20] =	ssyncadd.s32 $0xFFFFF800  }
0x1b: {  	[tilespmem:s23], [sflag:$0x1] =	stream.strided.gather [hbm4b:s6+s18], $0x800, s19, s18, $0x38;
	[tilespmem:$0x4100] =	vst v63  }
0x1c: {  	_ =	swait.ge [sflag:s20], $0x800  }
0x1d: {  	[sflag:s20] =	ssyncset.done $0x0  }
0x1e: {  	[sflag:s20] =	ssyncadd.s32 $0xFFFFF800  }
0x1f: {  	[tilespmem:s24], [sflag:$0x1] =	stream.strided.gather [hbm4b:s7+s18], $0x800, s19, s18, $0x38;
	[tilespmem:$0x4100] =	vst v63  }
0x20: {  	_ =	swait.ge [sflag:s20], $0x800  }
0x21: {  	[sflag:s20] =	ssyncset.done $0x0  }
0x22: {  	[sflag:s20] =	ssyncadd.s32 $0xFFFFF800  }
0x23: {  	[tilespmem:s25], [sflag:$0x1] =	stream.strided.gather [hbm4b:s8+s18], $0x800, s19, s18, $0x38;
	[tilespmem:$0x4100] =	vst v63  }
0x24: {  	_ =	swait.ge [sflag:s20], $0x800  }
0x25: {  	[sflag:s20] =	ssyncset.done $0x0  }
0x26: {  	[sflag:s20] =	ssyncadd.s32 $0xFFFFF800  }
0x27: {  	[tilespmem:s26], [sflag:$0x1] =	stream.strided.gather [hbm4b:s10+s18], $0x800, s19, s18, $0x38;
	[tilespmem:$0x4100] =	vst v63  }
0x28: {  	_ =	swait.ge [sflag:s20], $0x800  }
0x29: {  	[sflag:s20] =	ssyncset.done $0x0  }
0x2a: {  	[sflag:s20] =	ssyncadd.s32 $0xFFFFF800  }
0x2b: {  	[tilespmem:s28], [sflag:$0x1] =	stream.strided.gather [hbm4b:s11+s18], $0x800, s19, s18, $0x38;
	[tilespmem:$0x4100] =	vst v63  }
0x2c: {  	_ =	swait.ge [sflag:s20], $0x800  }
0x2d: {  	[sflag:s20] =	ssyncset.done $0x0  }
0x2e: {  	[sflag:s20] =	ssyncadd.s32 $0xFFFFF800  }
0x2f: {  	v0 =	vld [tilespmem:s9+$0x2000]  }
0x30: {  	v1 =	vld [tilespmem:s12+$0x2000]  }
0x31: {  	v2 =	vld [tilespmem:s13+$0x2000]  }
0x32: {  	v4 =	vld [tilespmem:s14+$0x2000]  }
0x33: {  	v5 =	vld [tilespmem:s9+$0x2800]  }
0x34: {  	v6 =	vld [tilespmem:s12+$0x2800]  }
0x35: {  	s0 =	simm.s32 $0x1;
	v8 =	vld [tilespmem:s13+$0x2800]  }
0x36: {  	v14 =	vmov s0;
	v10 =	vld [tilespmem:s14+$0x2800]  }
0x37: {  	v13 =	vld [tilespmem:s9+$0x3000]  }
0x38: {  	v16 =	vld [tilespmem:s13+$0x3000]  }
0x39: {  	v17 =	vld [tilespmem:s14+$0x3000]  }
0x3a: {  	v15 =	vld [tilespmem:s12+$0x3000];
	v11 =	vmul.f32 $-2.000000000e+00, v0;
	v7 =	vmul.f32 $-2.000000000e+00, v1  }
0x3b: {  	v18 =	vld.idx.msk [tilespmem:v14+s2+$0x0], $0xffff;
	v3 =	vmul.f32 $-2.000000000e+00, v2;
	v0 =	vmul.f32 $-2.000000000e+00, v4  }
0x3c: {  	v19 =	vld.idx.msk [tilespmem:v14+s24+$0x0], $0xffff;
	v12 =	vmul.f32 $-2.000000000e+00, v5;
	v9 =	vmul.f32 $-2.000000000e+00, v6  }
0x3d: {  	v1 =	vmov s2;
	v6 =	vmul.f32 $-2.000000000e+00, v8;
	v13 =	vmul.f32 $-2.000000000e+00, v13  }
0x3e: {  	s1 =	simm.s32 $0x3;
	v5 =	vmul.f32 $-2.000000000e+00, v16;
	v2 =	vmul.f32 $-2.000000000e+00, v17;
	v1 =	vand.u32 $0xFFFFFFFE, v1  }
0x3f: {  	v8 =	vld.idx.msk [tilespmem:v14+s22+$0x0], $0xffff;
	v17 =	vmov s1;
	v22 =	vbroadcast v1, $0x0;
	v1 =	vmul.f32 $-2.000000000e+00, v10  }
0x40: {  	v10 =	vmul.f32 $-2.000000000e+00, v15;
	v15 =	vmul.f32 v18, v7  }
0x41: {  	v16 =	vmul.f32 v19, v5;
	v20 =	vmul.f32 v19, v2  }
0x42: {  	v23 =	vmul.f32 v18, v3;
	v26 =	vmul.f32 v18, v11  }
0x43: {  	v18 =	vmul.f32 v18, v0;
	v21 =	vmul.f32 v19, v10  }
0x44: {  	v25 =	vmul.f32 v8, v6;
	v28 =	vld.idx.msk [tilespmem:v17+s2+$0x0], $0xffff;
	v29 =	vmul.f32 v8, v12  }
0x45: {  	v19 =	vmul.f32 v19, v13;
	v27 =	vmul.f32 v8, v1;
	v30 =	vld.idx.msk [tilespmem:v17+s24+$0x0], $0xffff  }
0x46: {  	v8 =	vmul.f32 v8, v9;
	v23 =	vadd.f32 v25, v23;
	v25 =	vadd.f32 v29, v26  }
0x47: {  	v18 =	vadd.f32 v27, v18  }
0x48: {  	s29 =	simm.s32 $0x2;
	v4 =	vimm.f32 $+Inf;
	v8 =	vadd.f32 v8, v15;
	v15 =	vadd.f32 v19, v25  }
0x49: {  	v24 =	vld.idx.msk [tilespmem:v22+s24+$0x0], $0xffff;
	v18 =	vadd.f32 v20, v18;
	v20 =	vmov s29;
	v19 =	vmul.f32 v28, v7  }
0x4a: {  	v14 =	vld.idx.msk [tilespmem:v14+s26+$0x0], $0xffff;
	v16 =	vadd.f32 v16, v23;
	v34 =	vmul.f32 v30, v5;
	v35 =	vmul.f32 v30, v2  }
0x4b: {  	s1 =	simm.s32 $0x5;
	v26 =	vld.idx.msk [tilespmem:v22+s22+$0x0], $0xffff;
	v20 =	vand.u32 $0xFFFFFFFE, v20;
	v23 =	vmul.f32 v30, v10;
	v40 =	vmul.f32 v28, v11  }
0x4c: {  	v33 =	vmov s1;
	v31 =	vld.idx.msk [tilespmem:v22+s2+$0x0], $0xffff;
	v47 =	vmul.f32 v30, v13;
	v42 =	vbroadcast v20, $0x0  }
0x4d: {  	v25 =	vld.idx.msk [tilespmem:v17+s22+$0x0], $0xffff;
	s29 =	simm.s32 $0x4;
	v20 =	vadd.f32 v21, v8;
	v21 =	vmul.f32 v28, v3;
	v28 =	vmul.f32 v28, v0  }
0x4e: {  	v61 =	vmov s29;
	v27 =	vmul.f32 v24, v13;
	v29 =	vmul.f32 v24, v10  }
0x4f: {  	v37 =	vadd.f32 v15, v14;
	v32 =	vmul.f32 v24, v2;
	v15 =	vmul.f32 v24, v5  }
0x50: {  	v8 =	vadd.f32 v18, v14;
	v24 =	vmul.f32 v26, v6;
	v36 =	vmul.f32 v26, v9  }
0x51: {  	v30 =	vld.idx.msk [tilespmem:v33+s24+$0x0], $0xffff;
	v16 =	vadd.f32 v16, v14;
	v38 =	vmul.f32 v26, v12;
	v18 =	vmul.f32 v31, v0  }
0x52: {  	v63 =	vand.u32 $0xFFFFFFFE, v61;
	v41 =	vmul.f32 v31, v7;
	v39 =	vmul.f32 v25, v6  }
0x53: {  	v20 =	vadd.f32 v20, v14;
	v14 =	vld.idx.msk [tilespmem:v33+s2+$0x0], $0xffff;
	v43 =	vmul.f32 v25, v1;
	v45 =	vmul.f32 v25, v12  }
0x54: {  	v46 =	vmul.f32 v25, v9;
	v41 =	vadd.f32 v36, v41;
	v36 =	vld.idx.msk [tilespmem:v22+s26+$0x0], $0xffff;
	v39 =	vadd.f32 v39, v21  }
0x55: {  	v21 =	vmul.f32 v31, v3;
	v28 =	vadd.f32 v43, v28;
	v40 =	vadd.f32 v45, v40;
	v44 =	vld.idx.msk [tilespmem:v42+s24+$0x0], $0xffff  }
0x56: {  	v22 =	vmul.f32 v30, v5;
	v58 =	vadd.f32 v46, v19;
	v60 =	vadd.f32 v29, v41  }
0x57: {  	v19 =	vld.idx.msk [tilespmem:v42+s22+$0x0], $0xffff;
	v25 =	vadd.f32 v24, v21;
	v24 =	vmul.f32 v26, v1;
	v40 =	vadd.f32 v47, v40  }
0x58: {  	v21 =	vld.idx.msk [tilespmem:v17+s26+$0x0], $0xffff;
	v17 =	vmul.f32 v31, v11;
	v35 =	vadd.f32 v35, v28;
	v39 =	vadd.f32 v34, v39  }
0x59: {  	v28 =	vmul.f32 v14, v7;
	v46 =	vadd.f32 v23, v58;
	v18 =	vadd.f32 v24, v18  }
0x5a: {  	v24 =	vadd.f32 v38, v17;
	v62 =	vadd.f32 v60, v36;
	v31 =	vmul.f32 v44, v13  }
0x5b: {  	v26 =	vmul.f32 v44, v10;
	v17 =	vmul.f32 v44, v2;
	v59 =	vadd.f32 v32, v18  }
0x5c: {  	v27 =	vadd.f32 v27, v24;
	v18 =	vmul.f32 v30, v2;
	v24 =	vmul.f32 v30, v10  }
0x5d: {  	v41 =	vmul.f32 v44, v5;
	v45 =	vmul.f32 v19, v9;
	v32 =	vadd.f32 v35, v21;
	v35 =	vld.idx.msk [tilespmem:v42+s26+$0x0], $0xffff  }
0x5e: {  	v23 =	vld.idx.msk [tilespmem:v42+s2+$0x0], $0xffff;
	v44 =	vbroadcast v63, $0x0;
	v47 =	vmul.f32 v19, v12;
	v43 =	vmin.f32 v4, v62  }
0x5f: {  	v34 =	vld.idx.msk [tilespmem:v33+s22+$0x0], $0xffff;
	v29 =	vadd.f32 v40, v21;
	v40 =	vmul.f32 v19, v6;
	v42 =	vimm.f32 $+Inf  }
0x60: {  	s0 =	simm.s32 $0x6;
	v38 =	vadd.f32 v59, v36;
	v48 =	vadd.f32 v27, v36;
	v27 =	vimm.f32 $+Inf  }
.LBB2_2:
0x61: {  	s29 =	sadd.s32 $0x1, s0  }
0x62: {  	p0 =	slt.u32 s0, $0x7FE;
	v49 =	vmul.f32 v14, v3;
	v46 =	vadd.f32 v46, v21;
	v4 =	vmin.f32 v4, v38;
	v50 =	vmovc v35;
	s1 =	smov.u32 s0;
	s0 =	sadd.s32 $0x2, s0  }
0x63: {  	v38 =	vadd.f32 v39, v21;
	v35 =	vmov s29;
	v4 =	vmin.f32 v4, v8;
	v8 =	vmovc v32  }
0x64: {  	v39 =	vmul.f32 v23, v0;
	v25 =	vadd.f32 v15, v25;
	v15 =	vmovc v41;
	v32 =	vmul.f32 v34, v6  }
0x65: {  	v41 =	vmul.f32 v14, v11;
	v51 =	vmul.f32 v23, v7;
	v42 =	vmin.f32 v42, v48  }
0x66: {  	v48 =	vmul.f32 v34, v1;
	v25 =	vadd.f32 v25, v36;
	v21 =	vld.idx.msk [tilespmem:v33+s26+$0x0], $0xffff;
	v33 =	vmul.f32 v30, v13  }
0x67: {  	v42 =	vmin.f32 v42, v37;
	v32 =	vadd.f32 v32, v49;
	v49 =	vmul.f32 v14, v0;
	v36 =	vld.idx.msk [tilespmem:v44+s24+$0x0], $0xffff  }
0x68: {  	v52 =	vmul.f32 v23, v3;
	v37 =	vmul.f32 v34, v12;
	v27 =	vmin.f32 v27, v25;
	v14 =	vld.idx.msk [tilespmem:v35+s2+$0x0], $0xffff  }
0x69: {  	v34 =	vmul.f32 v34, v9;
	v48 =	vadd.f32 v48, v49;
	v49 =	vmul.f32 v23, v11;
	v30 =	vld.idx.msk [tilespmem:v35+s24+$0x0], $0xffff  }
0x6a: {  	v37 =	vadd.f32 v37, v41;
	v25 =	vadd.f32 v40, v52;
	v40 =	vmul.f32 v19, v1;
	v23 =	vld.idx.msk [tilespmem:v44+s2+$0x0], $0xffff  }
0x6b: {  	v43 =	vmin.f32 v43, v20;
	v34 =	vadd.f32 v34, v28;
	v41 =	vadd.f32 v45, v51;
	v19 =	vld.idx.msk [tilespmem:v44+s22+$0x0], $0xffff  }
0x6c: {  	v20 =	vmovc v46;
	v27 =	vmin.f32 v27, v16;
	v37 =	vadd.f32 v33, v37;
	v28 =	vadd.f32 v40, v39  }
0x6d: {  	v45 =	vadd.f32 v47, v49;
	v33 =	vmovc v35;
	v39 =	vmul.f32 v36, v13;
	v40 =	vmul.f32 v36, v10  }
0x6e: {  	v16 =	vmovc v38;
	v47 =	vadd.f32 v18, v48;
	v48 =	vadd.f32 v17, v28;
	v17 =	vmul.f32 v36, v2  }
0x6f: {  	v51 =	vadd.f32 v31, v45;
	v28 =	vmul.f32 v14, v7;
	v49 =	vmul.f32 v30, v5;
	v31 =	vmovc v39  }
0x70: {  	v45 =	vadd.f32 v26, v41;
	v18 =	vmul.f32 v30, v2;
	v39 =	vadd.f32 v22, v32;
	v35 =	vld.idx.msk [tilespmem:v44+s26+$0x0], $0xffff  }
.Ltmp0:
0x71: {  	v46 =	vadd.f32 v24, v34;
	v24 =	vmul.f32 v30, v10;
	v26 =	vmovc v40;
	v44 =	vadd.f32 v37, v21;
	(pc) =	sbr.rel @p0 .LBB2_2-.Ltmp0, $4  }
0x72: {  	v41 =	vmul.f32 v36, v5;
	v38 =	vadd.f32 v48, v50;
	v32 =	vadd.f32 v47, v21;
	v34 =	vld.idx.msk [tilespmem:v33+s22+$0x0], $0xffff  }
0x73: {  	v53 =	vmov s1;
	v36 =	vmovc v50;
	v52 =	vadd.f32 v45, v50;
	v40 =	vmul.f32 v19, v6;
	v22 =	vmovc v49  }
0x74: {  	v48 =	vadd.f32 v51, v36;
	v47 =	vand.u32 $0xFFFFFFFE, v53;
	v45 =	vmul.f32 v19, v9;
	v37 =	vmovc v29;
	v29 =	vmovc v44  }
0x75: {  	v43 =	vmin.f32 v43, v52;
	v44 =	vbroadcast v47, $0x0;
	v47 =	vmul.f32 v19, v12  }
0x76: {  	_ =	sdelay $0x4  }
0x77: {  	v49 =	vld.idx.msk [tilespmem:v44+s2+$0x0], $0xffff  }
0x78: {  	v50 =	vld.idx.msk [tilespmem:v44+s22+$0x0], $0xffff;
	_ =	sdelay $0x1  }
0x79: {  	v52 =	vmul.f32 v23, v11;
	v51 =	vld.idx.msk [tilespmem:v44+s24+$0x0], $0xffff;
	_ =	sdelay $0x1  }
0x7a: {  	v47 =	vadd.f32 v47, v52  }
0x7b: {  	v56 =	vmul.f32 v50, v12;
	v53 =	vmul.f32 v49, v11  }
0x7c: {  	v57 =	vld.idx.msk [tilespmem:v44+s26+$0x0], $0xffff;
	v31 =	vadd.f32 v31, v47;
	v11 =	vmul.f32 v14, v11;
	v12 =	vmul.f32 v34, v12  }
0x7d: {  	v33 =	vld.idx.msk [tilespmem:v33+s26+$0x0], $0xffff;
	v59 =	vmul.f32 v51, v13;
	v13 =	vmul.f32 v30, v13;
	v58 =	vadd.f32 v56, v53  }
0x7e: {  	v30 =	vadd.f32 v31, v35;
	v11 =	vadd.f32 v12, v11;
	v12 =	vmin.f32 v42, v48  }
0x7f: {  	v12 =	vmin.f32 v12, v37;
	v31 =	vadd.f32 v59, v58  }
0x80: {  	v60 =	vmul.f32 v23, v7;
	v11 =	vadd.f32 v13, v11;
	v13 =	vld [tilespmem:s9+$0x3800];
	v12 =	vmin.f32 v12, v30  }
0x81: {  	v7 =	vmul.f32 v49, v7;
	v12 =	vmin.f32 v12, v29;
	v30 =	vadd.f32 v31, v57  }
0x82: {  	v29 =	vmul.f32 v50, v9;
	v9 =	vmul.f32 v34, v9;
	v11 =	vadd.f32 v11, v33  }
0x83: {  	v10 =	vmul.f32 v51, v10;
	v31 =	vadd.f32 v45, v60;
	v12 =	vmin.f32 v12, v30  }
0x84: {  	v7 =	vadd.f32 v29, v7;
	v9 =	vadd.f32 v9, v28;
	v11 =	vmin.f32 v12, v11  }
0x85: {  	v28 =	vmul.f32 v34, v6;
	v26 =	vadd.f32 v26, v31;
	v11 =	vadd.f32 v13, v11  }
0x86: {  	v6 =	vmul.f32 v50, v6;
	v12 =	vmul.f32 v14, v3  }
0x87: {  	v7 =	vadd.f32 v10, v7;
	v10 =	vmul.f32 v23, v3;
	v26 =	vadd.f32 v26, v35;
	[tilespmem:$0x4000] =	vst v11  }
0x88: {  	v9 =	vadd.f32 v24, v9;
	v13 =	vadd.f32 v46, v21;
	v11 =	vmin.f32 v43, v20;
	v20 =	vld [tilespmem:s12+$0x3800]  }
0x89: {  	v3 =	vmul.f32 v49, v3;
	v7 =	vadd.f32 v7, v57;
	v11 =	vmin.f32 v11, v26  }
0x8a: {  	v10 =	vadd.f32 v40, v10;
	v9 =	vadd.f32 v9, v33;
	v11 =	vmin.f32 v11, v13  }
0x8b: {  	v15 =	vadd.f32 v15, v25;
	v5 =	vmul.f32 v51, v5;
	v7 =	vmin.f32 v11, v7  }
0x8c: {  	v3 =	vadd.f32 v6, v3;
	v10 =	vadd.f32 v41, v10;
	v7 =	vmin.f32 v7, v9  }
0x8d: {  	v11 =	vadd.f32 v15, v36;
	v6 =	vadd.f32 v20, v7  }
0x8e: {  	v12 =	vadd.f32 v28, v12;
	v3 =	vadd.f32 v5, v3;
	v5 =	vmul.f32 v19, v1  }
0x8f: {  	v10 =	vadd.f32 v10, v35;
	v9 =	vmul.f32 v23, v0;
	v11 =	vmin.f32 v27, v11;
	[tilespmem:$0x4010] =	vst v6  }
0x90: {  	v7 =	vadd.f32 v39, v21;
	v6 =	vmin.f32 v11, v16;
	v11 =	vadd.f32 v22, v12;
	v12 =	vld [tilespmem:s13+$0x3800]  }
0x91: {  	v13 =	vmul.f32 v34, v1;
	v3 =	vadd.f32 v3, v57;
	v6 =	vmin.f32 v6, v10  }
0x92: {  	v5 =	vadd.f32 v5, v9;
	v9 =	vadd.f32 v11, v33;
	v6 =	vmin.f32 v6, v7  }
0x93: {  	v1 =	vmul.f32 v50, v1;
	v7 =	vmul.f32 v49, v0;
	v3 =	vmin.f32 v6, v3  }
0x94: {  	v5 =	vadd.f32 v17, v5;
	v0 =	vmul.f32 v14, v0;
	v3 =	vmin.f32 v3, v9  }
0x95: {  	v2 =	vmul.f32 v51, v2;
	v1 =	vadd.f32 v1, v7;
	v3 =	vadd.f32 v12, v3  }
0x96: {  	v0 =	vadd.f32 v13, v0  }
0x97: {  	v4 =	vmin.f32 v4, v38;
	v5 =	vadd.f32 v5, v35;
	v1 =	vadd.f32 v2, v1;
	[tilespmem:$0x4020] =	vst v3  }
0x98: {  	v2 =	vmin.f32 v4, v8;
	v0 =	vadd.f32 v18, v0;
	v3 =	vld [tilespmem:s14+$0x3800]  }
0x99: {  	v2 =	vmin.f32 v2, v5;
	v1 =	vadd.f32 v1, v57  }
0x9a: {  	v0 =	vadd.f32 v0, v33;
	v2 =	vmin.f32 v2, v32  }
0x9b: {  	v1 =	vmin.f32 v2, v1  }
0x9c: {  	v0 =	vmin.f32 v1, v0  }
0x9d: {  	v0 =	vadd.f32 v3, v0;
	_ =	sdelay $0x1  }
0x9e: {  	s0 =	simm.s32 $0x0;
	s1 =	simm.s32 $0x4000;
	[tilespmem:$0x4030] =	vst v0  }
0x9f: {  	[hbm4b:s15+s0] =	stream.linear.scatter [tilespmem:s1], [sflag:$0x1], $0x40, $0x38;
	[tilespmem:$0x4100] =	vst v63  }
0xa0: {  	_ =	swait.ge [sflag:s20], $0x40  }
0xa1: {  	[sflag:s20] =	ssyncset.done $0x0  }
0xa2: {  	[sflag:s20] =	ssyncadd.s32 $0xFFFFFFC0  }
0xa3: {  	v0 =	vld [tilespmem:s9+$0x0]  }
0xa4: {  	v1 =	vld [tilespmem:s12+$0x0]  }
0xa5: {  	v2 =	vld [tilespmem:s13+$0x0]  }
0xa6: {  	v4 =	vld [tilespmem:s14+$0x0]  }
0xa7: {  	v5 =	vld [tilespmem:s9+$0x800]  }
0xa8: {  	v6 =	vld [tilespmem:s12+$0x800]  }
0xa9: {  	s29 =	simm.s32 $0x1;
	v8 =	vld [tilespmem:s13+$0x800]  }
0xaa: {  	v14 =	vmov s29;
	v10 =	vld [tilespmem:s14+$0x800]  }
0xab: {  	v13 =	vld [tilespmem:s9+$0x1000]  }
0xac: {  	v16 =	vld [tilespmem:s13+$0x1000]  }
0xad: {  	v17 =	vld [tilespmem:s14+$0x1000];
	v11 =	vmul.f32 $-2.000000000e+00, v0  }
0xae: {  	v15 =	vld [tilespmem:s12+$0x1000];
	v7 =	vmul.f32 $-2.000000000e+00, v1;
	v3 =	vmul.f32 $-2.000000000e+00, v2  }
0xaf: {  	v18 =	vld.idx.msk [tilespmem:v14+s21+$0x0], $0xffff;
	v0 =	vmul.f32 $-2.000000000e+00, v4;
	v12 =	vmul.f32 $-2.000000000e+00, v5  }
0xb0: {  	v19 =	vld.idx.msk [tilespmem:v14+s25+$0x0], $0xffff;
	v9 =	vmul.f32 $-2.000000000e+00, v6;
	v6 =	vmul.f32 $-2.000000000e+00, v8  }
0xb1: {  	s1 =	simm.s32 $0x3;
	v1 =	vmov s0;
	v13 =	vmul.f32 $-2.000000000e+00, v13;
	v5 =	vmul.f32 $-2.000000000e+00, v16  }
0xb2: {  	v8 =	vld.idx.msk [tilespmem:v14+s23+$0x0], $0xffff;
	v2 =	vmul.f32 $-2.000000000e+00, v17;
	v17 =	vmov s1;
	v1 =	vand.u32 $0xFFFFFFFE, v1  }
0xb3: {  	v22 =	vbroadcast v1, $0x0;
	v1 =	vmul.f32 $-2.000000000e+00, v10  }
0xb4: {  	v10 =	vmul.f32 $-2.000000000e+00, v15;
	v15 =	vmul.f32 v18, v7  }
0xb5: {  	v16 =	vmul.f32 v19, v5;
	v20 =	vmul.f32 v19, v2  }
0xb6: {  	v23 =	vmul.f32 v18, v3;
	v26 =	vmul.f32 v18, v11  }
0xb7: {  	v18 =	vmul.f32 v18, v0;
	v25 =	vmul.f32 v8, v6;
	v28 =	vld.idx.msk [tilespmem:v17+s21+$0x0], $0xffff  }
0xb8: {  	v27 =	vmul.f32 v8, v1;
	v29 =	vmul.f32 v8, v12;
	v30 =	vld.idx.msk [tilespmem:v17+s25+$0x0], $0xffff  }
0xb9: {  	v21 =	vmul.f32 v19, v10;
	v8 =	vmul.f32 v8, v9;
	v23 =	vadd.f32 v25, v23  }
0xba: {  	v19 =	vmul.f32 v19, v13;
	v25 =	vadd.f32 v29, v26;
	v18 =	vadd.f32 v27, v18  }
0xbb: {  	v8 =	vadd.f32 v8, v15  }
0xbc: {  	s29 =	simm.s32 $0x2;
	v24 =	vld.idx.msk [tilespmem:v22+s25+$0x0], $0xffff;
	v15 =	vadd.f32 v19, v25;
	v18 =	vadd.f32 v20, v18  }
0xbd: {  	v14 =	vld.idx.msk [tilespmem:v14+s28+$0x0], $0xffff;
	v20 =	vmov s29;
	v19 =	vmul.f32 v28, v7;
	v62 =	vmul.f32 v30, v5  }
0xbe: {  	v26 =	vld.idx.msk [tilespmem:v22+s23+$0x0], $0xffff;
	v16 =	vadd.f32 v16, v23;
	v63 =	vmul.f32 v30, v2;
	v23 =	vmul.f32 v30, v10  }
0xbf: {  	v31 =	vld.idx.msk [tilespmem:v22+s21+$0x0], $0xffff;
	v20 =	vand.u32 $0xFFFFFFFE, v20;
	v51 =	vmul.f32 v28, v11;
	v57 =	vmul.f32 v30, v13  }
0xc0: {  	v25 =	vld.idx.msk [tilespmem:v17+s23+$0x0], $0xffff;
	v42 =	vbroadcast v20, $0x0;
	v20 =	vadd.f32 v21, v8;
	v21 =	vmul.f32 v28, v3  }
0xc1: {  	v4 =	vimm.f32 $+Inf;
	s1 =	simm.s32 $0x5;
	v28 =	vmul.f32 v28, v0;
	v27 =	vmul.f32 v24, v13  }
0xc2: {  	v33 =	vmov s1;
	v29 =	vmul.f32 v24, v10;
	v61 =	vmul.f32 v24, v2  }
0xc3: {  	v37 =	vadd.f32 v15, v14;
	v15 =	vmul.f32 v24, v5;
	v24 =	vmul.f32 v26, v6  }
0xc4: {  	v8 =	vadd.f32 v18, v14;
	v48 =	vmul.f32 v26, v9;
	v49 =	vmul.f32 v26, v12  }
0xc5: {  	v16 =	vadd.f32 v16, v14;
	v52 =	vmul.f32 v31, v7;
	v50 =	vmul.f32 v25, v6  }
0xc6: {  	v36 =	vld.idx.msk [tilespmem:v22+s28+$0x0], $0xffff;
	v20 =	vadd.f32 v20, v14;
	v53 =	vmul.f32 v25, v1;
	v55 =	vmul.f32 v25, v12  }
0xc7: {  	v30 =	vld.idx.msk [tilespmem:v33+s25+$0x0], $0xffff;
	v56 =	vmul.f32 v25, v9;
	v41 =	vadd.f32 v48, v52;
	v39 =	vadd.f32 v50, v21  }
0xc8: {  	v14 =	vld.idx.msk [tilespmem:v33+s21+$0x0], $0xffff;
	v21 =	vmul.f32 v31, v3;
	v28 =	vadd.f32 v53, v28;
	v40 =	vadd.f32 v55, v51  }
0xc9: {  	v18 =	vmul.f32 v31, v0;
	v58 =	vadd.f32 v56, v19;
	v54 =	vld.idx.msk [tilespmem:v42+s25+$0x0], $0xffff;
	v60 =	vadd.f32 v29, v41  }
0xca: {  	v25 =	vadd.f32 v24, v21;
	v24 =	vmul.f32 v26, v1;
	v40 =	vadd.f32 v57, v40  }
0xcb: {  	v21 =	vld.idx.msk [tilespmem:v17+s28+$0x0], $0xffff;
	v17 =	vmul.f32 v31, v11;
	v35 =	vadd.f32 v63, v28;
	v39 =	vadd.f32 v62, v39  }
0xcc: {  	v22 =	vmul.f32 v30, v5;
	v19 =	vld.idx.msk [tilespmem:v42+s23+$0x0], $0xffff;
	v46 =	vadd.f32 v23, v58;
	v62 =	vadd.f32 v60, v36  }
0xcd: {  	v28 =	vmul.f32 v14, v7;
	v18 =	vadd.f32 v24, v18;
	v24 =	vadd.f32 v49, v17  }
0xce: {  	v43 =	vmin.f32 v4, v62;
	v31 =	vmul.f32 v54, v13;
	v26 =	vmul.f32 v54, v10  }
0xcf: {  	v17 =	vmul.f32 v54, v2;
	v59 =	vadd.f32 v61, v18;
	v18 =	vmul.f32 v30, v2  }
0xd0: {  	s29 =	simm.s32 $0x4;
	v27 =	vadd.f32 v27, v24;
	v24 =	vmul.f32 v30, v10;
	v41 =	vmul.f32 v54, v5  }
0xd1: {  	v61 =	vmov s29;
	v45 =	vmul.f32 v19, v9;
	v32 =	vadd.f32 v35, v21;
	v35 =	vld.idx.msk [tilespmem:v42+s28+$0x0], $0xffff  }
0xd2: {  	v34 =	vld.idx.msk [tilespmem:v33+s23+$0x0], $0xffff;
	v47 =	vmul.f32 v19, v12;
	v29 =	vadd.f32 v40, v21;
	v40 =	vmul.f32 v19, v6  }
0xd3: {  	v23 =	vld.idx.msk [tilespmem:v42+s21+$0x0], $0xffff;
	v63 =	vand.u32 $0xFFFFFFFE, v61;
	v42 =	vimm.f32 $+Inf;
	v38 =	vadd.f32 v59, v36  }
0xd4: {  	s0 =	simm.s32 $0x6;
	v48 =	vadd.f32 v27, v36;
	v44 =	vbroadcast v63, $0x0;
	v27 =	vimm.f32 $+Inf  }
.LBB2_4:
0xd5: {  	s29 =	sadd.s32 $0x1, s0  }
0xd6: {  	p0 =	slt.u32 s0, $0x7FE;
	v49 =	vmul.f32 v14, v3;
	v46 =	vadd.f32 v46, v21;
	v4 =	vmin.f32 v4, v38;
	v50 =	vmovc v35;
	s1 =	smov.u32 s0;
	s0 =	sadd.s32 $0x2, s0  }
0xd7: {  	v38 =	vadd.f32 v39, v21;
	v35 =	vmov s29;
	v4 =	vmin.f32 v4, v8;
	v8 =	vmovc v32  }
0xd8: {  	v39 =	vmul.f32 v23, v0;
	v25 =	vadd.f32 v15, v25;
	v15 =	vmovc v41;
	v32 =	vmul.f32 v34, v6  }
0xd9: {  	v41 =	vmul.f32 v14, v11;
	v51 =	vmul.f32 v23, v7;
	v42 =	vmin.f32 v42, v48  }
0xda: {  	v48 =	vmul.f32 v34, v1;
	v25 =	vadd.f32 v25, v36;
	v21 =	vld.idx.msk [tilespmem:v33+s28+$0x0], $0xffff;
	v33 =	vmul.f32 v30, v13  }
0xdb: {  	v42 =	vmin.f32 v42, v37;
	v32 =	vadd.f32 v32, v49;
	v49 =	vmul.f32 v14, v0;
	v36 =	vld.idx.msk [tilespmem:v44+s25+$0x0], $0xffff  }
0xdc: {  	v52 =	vmul.f32 v23, v3;
	v37 =	vmul.f32 v34, v12;
	v27 =	vmin.f32 v27, v25;
	v14 =	vld.idx.msk [tilespmem:v35+s21+$0x0], $0xffff  }
0xdd: {  	v34 =	vmul.f32 v34, v9;
	v48 =	vadd.f32 v48, v49;
	v49 =	vmul.f32 v23, v11;
	v30 =	vld.idx.msk [tilespmem:v35+s25+$0x0], $0xffff  }
0xde: {  	v37 =	vadd.f32 v37, v41;
	v25 =	vadd.f32 v40, v52;
	v40 =	vmul.f32 v19, v1;
	v23 =	vld.idx.msk [tilespmem:v44+s21+$0x0], $0xffff  }
0xdf: {  	v43 =	vmin.f32 v43, v20;
	v34 =	vadd.f32 v34, v28;
	v41 =	vadd.f32 v45, v51;
	v19 =	vld.idx.msk [tilespmem:v44+s23+$0x0], $0xffff  }
0xe0: {  	v20 =	vmovc v46;
	v27 =	vmin.f32 v27, v16;
	v37 =	vadd.f32 v33, v37;
	v28 =	vadd.f32 v40, v39  }
0xe1: {  	v45 =	vadd.f32 v47, v49;
	v33 =	vmovc v35;
	v39 =	vmul.f32 v36, v13;
	v40 =	vmul.f32 v36, v10  }
0xe2: {  	v16 =	vmovc v38;
	v47 =	vadd.f32 v18, v48;
	v48 =	vadd.f32 v17, v28;
	v17 =	vmul.f32 v36, v2  }
0xe3: {  	v51 =	vadd.f32 v31, v45;
	v28 =	vmul.f32 v14, v7;
	v49 =	vmul.f32 v30, v5;
	v31 =	vmovc v39  }
0xe4: {  	v45 =	vadd.f32 v26, v41;
	v18 =	vmul.f32 v30, v2;
	v39 =	vadd.f32 v22, v32;
	v35 =	vld.idx.msk [tilespmem:v44+s28+$0x0], $0xffff  }
.Ltmp1:
0xe5: {  	v46 =	vadd.f32 v24, v34;
	v24 =	vmul.f32 v30, v10;
	v26 =	vmovc v40;
	v44 =	vadd.f32 v37, v21;
	(pc) =	sbr.rel @p0 .LBB2_4-.Ltmp1, $4  }
0xe6: {  	v41 =	vmul.f32 v36, v5;
	v38 =	vadd.f32 v48, v50;
	v32 =	vadd.f32 v47, v21;
	v34 =	vld.idx.msk [tilespmem:v33+s23+$0x0], $0xffff  }
0xe7: {  	v53 =	vmov s1;
	v36 =	vmovc v50;
	v52 =	vadd.f32 v45, v50;
	v40 =	vmul.f32 v19, v6;
	v22 =	vmovc v49  }
0xe8: {  	v48 =	vadd.f32 v51, v36;
	v47 =	vand.u32 $0xFFFFFFFE, v53;
	v45 =	vmul.f32 v19, v9;
	v37 =	vmovc v29;
	v29 =	vmovc v44  }
0xe9: {  	v43 =	vmin.f32 v43, v52;
	v44 =	vbroadcast v47, $0x0;
	v47 =	vmul.f32 v19, v12  }
0xea: {  	_ =	sdelay $0x4  }
0xeb: {  	v49 =	vld.idx.msk [tilespmem:v44+s21+$0x0], $0xffff  }
0xec: {  	v50 =	vld.idx.msk [tilespmem:v44+s23+$0x0], $0xffff;
	_ =	sdelay $0x1  }
0xed: {  	v51 =	vld.idx.msk [tilespmem:v44+s25+$0x0], $0xffff  }
0xee: {  	v52 =	vmul.f32 v23, v11;
	_ =	sdelay $0x1  }
0xef: {  	v47 =	vadd.f32 v47, v52;
	v57 =	vmul.f32 v50, v12;
	v53 =	vmul.f32 v49, v11  }
0xf0: {  	v58 =	vmul.f32 v14, v11;
	v59 =	vmul.f32 v34, v12;
	v44 =	vld.idx.msk [tilespmem:v44+s28+$0x0], $0xffff  }
0xf1: {  	v33 =	vld.idx.msk [tilespmem:v33+s28+$0x0], $0xffff;
	v31 =	vadd.f32 v31, v47;
	v61 =	vmul.f32 v51, v13;
	v60 =	vadd.f32 v57, v53  }
0xf2: {  	v62 =	vmul.f32 v30, v13;
	v11 =	vadd.f32 v59, v58  }
0xf3: {  	v63 =	vmin.f32 v42, v48;
	v48 =	vadd.f32 v31, v35;
	v53 =	vadd.f32 v61, v60  }
0xf4: {  	v54 =	vmul.f32 v23, v7;
	v55 =	vld [tilespmem:s9+$0x1800];
	v12 =	vmin.f32 v63, v37;
	v11 =	vadd.f32 v62, v11  }
0xf5: {  	v58 =	vmul.f32 v50, v9;
	v12 =	vmin.f32 v12, v48;
	v56 =	vadd.f32 v53, v44  }
0xf6: {  	v59 =	vmul.f32 v49, v7;
	v12 =	vmin.f32 v12, v29;
	v11 =	vadd.f32 v11, v33  }
0xf7: {  	v15 =	vadd.f32 v15, v25;
	v57 =	vadd.f32 v45, v54;
	v12 =	vmin.f32 v12, v56  }
0xf8: {  	v7 =	vadd.f32 v58, v59;
	v60 =	vmul.f32 v34, v9;
	v11 =	vmin.f32 v12, v11  }
0xf9: {  	v10 =	vmul.f32 v51, v10;
	v26 =	vadd.f32 v26, v57;
	v11 =	vadd.f32 v55, v11  }
0xfa: {  	v47 =	vadd.f32 v15, v36;
	v9 =	vadd.f32 v60, v28  }
0xfb: {  	v42 =	vmin.f32 v43, v20;
	v7 =	vadd.f32 v10, v7;
	v26 =	vadd.f32 v26, v35;
	[tilespmem:$0x4080] =	vst v11  }
0xfc: {  	v37 =	vmul.f32 v23, v3;
	v62 =	vadd.f32 v46, v21;
	v9 =	vadd.f32 v24, v9;
	v43 =	vld [tilespmem:s12+$0x1800]  }
0xfd: {  	v45 =	vmul.f32 v50, v6;
	v7 =	vadd.f32 v7, v44;
	v11 =	vmin.f32 v42, v26  }
0xfe: {  	v46 =	vmul.f32 v49, v3;
	v9 =	vadd.f32 v9, v33;
	v11 =	vmin.f32 v11, v62  }
0xff: {  	v63 =	vmul.f32 v34, v6;
	v10 =	vadd.f32 v40, v37;
	v7 =	vmin.f32 v11, v7  }
0x100: {  	v61 =	vmul.f32 v14, v3;
	v3 =	vadd.f32 v45, v46;
	v7 =	vmin.f32 v7, v9  }
0x101: {  	v5 =	vmul.f32 v51, v5;
	v10 =	vadd.f32 v41, v10;
	v48 =	vadd.f32 v43, v7  }
0x102: {  	v52 =	vadd.f32 v39, v21;
	v54 =	vmul.f32 v19, v1;
	v12 =	vadd.f32 v63, v61  }
0x103: {  	v3 =	vadd.f32 v5, v3;
	v10 =	vadd.f32 v10, v35;
	v11 =	vmin.f32 v27, v47;
	[tilespmem:$0x4090] =	vst v48  }
0x104: {  	v53 =	vmul.f32 v23, v0;
	v56 =	vadd.f32 v22, v12;
	v55 =	vmin.f32 v11, v16;
	v57 =	vld [tilespmem:s13+$0x1800]  }
0x105: {  	v58 =	vmul.f32 v34, v1;
	v3 =	vadd.f32 v3, v44;
	v6 =	vmin.f32 v55, v10  }
0x106: {  	v5 =	vadd.f32 v54, v53;
	v59 =	vadd.f32 v56, v33;
	v6 =	vmin.f32 v6, v52  }
0x107: {  	v60 =	vmul.f32 v49, v0;
	v61 =	vmul.f32 v50, v1;
	v3 =	vmin.f32 v6, v3  }
0x108: {  	v5 =	vadd.f32 v17, v5;
	v62 =	vmul.f32 v14, v0;
	v3 =	vmin.f32 v3, v59  }
0x109: {  	v2 =	vmul.f32 v51, v2;
	v1 =	vadd.f32 v61, v60;
	v3 =	vadd.f32 v57, v3  }
0x10a: {  	v0 =	vadd.f32 v58, v62  }
0x10b: {  	v4 =	vmin.f32 v4, v38;
	v5 =	vadd.f32 v5, v35;
	v1 =	vadd.f32 v2, v1;
	[tilespmem:$0x40A0] =	vst v3  }
0x10c: {  	v63 =	vmin.f32 v4, v8;
	v0 =	vadd.f32 v18, v0;
	v3 =	vld [tilespmem:s14+$0x1800]  }
0x10d: {  	v2 =	vmin.f32 v63, v5;
	v1 =	vadd.f32 v1, v44  }
0x10e: {  	v2 =	vmin.f32 v2, v32;
	v0 =	vadd.f32 v0, v33  }
0x10f: {  	v1 =	vmin.f32 v2, v1  }
0x110: {  	v0 =	vmin.f32 v1, v0  }
0x111: {  	s31 =	sadd.s32 $0x1, s31;
	v0 =	vadd.f32 v3, v0  }
0x112: {  	p0 =	sne.s32 s31, s17  }
.Ltmp2:
0x113: {  	[tilespmem:$0x40B0] =	vst v0;
	(pc) =	sbr.rel @p0 .LBB2_1-.Ltmp2, $4  }
0x114: {  	[hbm4b:s16+s2] =	stream.linear.scatter [tilespmem:s30], [sflag:$0x1], $0x40, $0x38;
	[tilespmem:$0x4100] =	vst v63  }
0x115: {  	_ =	swait.ge [sflag:s20], $0x40  }
0x116: {  	[sflag:s20] =	ssyncset.done $0x0  }
0x117: {  	[sflag:s20] =	ssyncadd.s32 $0xFFFFFFC0  }
0x118: {  	_ =	sfence.sel $0x180000  }
0x119: {  	[bflag:$0x0] =	sbarrier.arrive $0xFFFF  }
0x11a: {  	_ =	strace $0x90000047  }
0x11b: {  	s0 =	stileid.u32;
	[bflag:$0x2] =	sbarrier.arrive $0xFFFF  }
0x11c: {  	p0 =	sne.s32 s0, $0x0;
	s0 =	rddreg [dreg:$0x1]  }
0x11d: {  	s0 =	sadd.s32 @!p0 $0x100000, s0  }
0x11e: {  	[sflag:s0] =	ssyncadd.tile.s32 @!p0 $0x1;
	_ =	shalt  }
.Lfunc_end2:
_tile_overlayer_lowered:
.L_overlay_start_2:
0x11f: {  	(tag) =	ssettag $0x2  }
0x120: {  	s0 =	rddreg [dreg:$0x0];
	s2 =	stileid.u32  }
0x121: {  	s1 =	rddreg [dreg:$0x1];
	p0 =	sne.s32 s2, $0x0  }
0x122: {  	s3 =	rddreg [dreg:$0x2];
	[bflag:$0x3] =	sbarrier.arrive $0xFFFF;
	s2 =	simm.s32 @!p0 $0x1C01  }
0x123: {  	[timem:s3], [sflag:s2] =	dma.local @!p0 [hbm:s0], s1  }
0x124: {  	s0 =	simm.s32 @!p0 $0x1  }
0x125: {  	_ =	swait.ge @!p0 [sflag:s0], s1  }
0x126: {  	s1 =	ssub.s32 @!p0 $0x0, s1;
	[sflag:s0] =	ssyncset.done @!p0 $0x0  }
0x127: {  	[sflag:s0] =	ssyncadd.s32 @!p0 s1  }
0x128: {  	[bflag:$0x3] =	sbarrier.arrive $0xFFFF  }
0x129: {  	_ =	shalt  }

</sc_bundles>
